<compile_context>
chip_gen: v7x
topology: tpu7x:2x2x1
jax: 0.10.2.dev20260603
libtpu: 0.0.44.dev20260713+nightly
codegen_flags: <defaults>
</compile_context>

<pallas_src>
import functools

import jax
import jax.numpy as jnp
from jax import lax
from jax.experimental import pallas as pl
from jax.experimental.pallas import tpu as pltpu
from jax.experimental.pallas import tpu_sc as plsc

_NUM_CORES = 2
_NUM_SUBCORES = 16
_NW = _NUM_CORES * _NUM_SUBCORES
_SPLITS = ((0, 128), (128, 72))
_DP = 128
_TB = 8192


def _transpose_pad(WT):
    V = WT.shape[1]
    D = WT.shape[0]
    mesh = pltpu.create_tensorcore_mesh("tc", num_cores=2)

    @functools.partial(
        pl.kernel,
        mesh=mesh,
        out_type=jax.ShapeDtypeStruct((V, _DP), WT.dtype),
    )
    def tk(wt_hbm, o_hbm):
        def body(wt_vmem, o_vmem):
            o_vmem[:, :D] = wt_vmem[...].T

        pltpu.emit_pipeline(
            body,
            grid=(pl.cdiv(V, _TB),),
            in_specs=[pl.BlockSpec((D, _TB), lambda i: (0, i))],
            out_specs=[pl.BlockSpec((_TB, _DP), lambda i: (i, 0))],
            core_axis_name="tc",
            dimension_semantics=(pltpu.PARALLEL,),
        )(wt_hbm, o_hbm)

    return tk(WT)


def kernel(x, W):
    B, S = x.shape
    V, D = W.shape
    rows_per_w = B // _NW
    W128 = _transpose_pad(W.T)

    mesh = plsc.VectorSubcoreMesh(core_axis_name="c", subcore_axis_name="s")

    @functools.partial(
        pl.kernel,
        mesh=mesh,
        compiler_params=pltpu.CompilerParams(use_tc_tiling_on_sc=False),
        out_type=jax.ShapeDtypeStruct((B, S, _DP), W.dtype),
        scratch_types=[
            pltpu.VMEM((rows_per_w, S), jnp.int32),
            pltpu.VMEM((2, S, _DP), jnp.float32),
            pltpu.SemaphoreType.DMA,
            pltpu.SemaphoreType.DMA,
            pltpu.SemaphoreType.DMA,
            pltpu.SemaphoreType.DMA,
        ],
    )
    def gather_kernel(w_hbm, i_hbm, o_hbm, idx_v, rows_v, sg0, sg1, sw0, sw1):
        wid = lax.axis_index("s") * _NUM_CORES + lax.axis_index("c")
        base = wid * rows_per_w
        pltpu.sync_copy(i_hbm.at[pl.ds(base, rows_per_w)], idx_v)

        def fire(t, g, sem):
            for off, sz in _SPLITS:
                pltpu.async_copy(
                    w_hbm.at[idx_v.at[t].at[pl.ds(off, sz)]],
                    rows_v.at[g].at[pl.ds(off, sz)],
                    sem)

        def drain_gathers(g, sem):
            pltpu.make_async_copy(
                o_hbm.at[base], rows_v.at[g], sem).wait()

        def write_start(t, g, sem):
            pltpu.async_copy(rows_v.at[g], o_hbm.at[base + t], sem)

        def write_wait(g, sem):
            pltpu.make_async_copy(
                rows_v.at[g], o_hbm.at[base], sem).wait()

        fire(0, 0, sg0)

        @pl.loop(0, rows_per_w, step=2)
        def _(t):
            @pl.when(t > 0)
            def _():
                write_wait(1, sw1)

            fire(t + 1, 1, sg1)
            drain_gathers(0, sg0)
            write_start(t, 0, sw0)

            @pl.when(t + 2 < rows_per_w)
            def _():
                write_wait(0, sw0)
                fire(t + 2, 0, sg0)

            drain_gathers(1, sg1)
            write_start(t + 1, 1, sw1)

        write_wait(0, sw0)
        write_wait(1, sw1)

    out = gather_kernel(W128, x)
    return out[:, :, :D]

# --- scband reference (transcript-rebuilt; emitter-appended) ---
"""Pipeline reference for scband-embeddings-35897336660134 (READ-ONLY COPY).

The authoritative reference and input builder live on the scoring server;
editing this copy changes nothing except your own understanding.
"""

import jax, jax.numpy as jnp
import numpy as np

N_VOCAB = 1000000
D_MODEL = 64

def setup_inputs(seed: int = 0) -> dict:
    key = jax.random.key(seed)
    k_idx, k_w = jax.random.split(key)
    x = jax.random.randint(k_idx, (4096, 200), 0, N_VOCAB, dtype=jnp.int64 if jax.config.jax_enable_x64 else jnp.int32)
    W = jax.random.normal(k_w, (N_VOCAB, D_MODEL), dtype=jnp.float32) * 0.02
    return {"x": x, "W": W}

def reference(x, W):
    # Faithful translation of Embeddings.forward: a plain nn.Embedding lookup
    # (no sqrt(d_model) scaling in this module's forward).
    return jnp.take(W, x, axis=0)

if __name__ == "__main__":
    import jax
    _d = setup_inputs()
    print(jax.jit(kernel)(*tuple(_d.values())))

</pallas_src>

<mosaic_0001>
#map = affine_map<(d0, d1) -> (0, 0)>
#map1 = affine_map<(d0, d1) -> (0, 0, 0)>
module attributes {stable_mosaic.version = 14 : i64} {
  func.func @gather_kernel(%arg0: i32, %arg1: i32, %arg2: memref<1000000x128xf32, #tpu.memory_space<hbm>>, %arg3: memref<4096x200xi32, #tpu.memory_space<hbm>>, %arg4: memref<4096x200x128xf32, #tpu.memory_space<hbm>>, %arg5: memref<128x200xi32, #tpu.memory_space<vmem>>, %arg6: memref<2x200x128xf32, #tpu.memory_space<vmem>>, %arg7: memref<!tpu.dma_semaphore, #tpu.memory_space<semaphore_mem>>, %arg8: memref<!tpu.dma_semaphore, #tpu.memory_space<semaphore_mem>>, %arg9: memref<!tpu.dma_semaphore, #tpu.memory_space<semaphore_mem>>, %arg10: memref<!tpu.dma_semaphore, #tpu.memory_space<semaphore_mem>>) attributes {dimension_semantics = [#tpu.dimension_semantics<core_parallel>, #tpu.dimension_semantics<subcore_parallel>], iteration_bounds = array<i64: 2, 16>, scalar_prefetch = 0 : i64, scratch_operands = 6 : i64, tpu.core_type = #tpu.core_type<sc_vector_subcore>, window_params = [{transform_indices = #map}, {transform_indices = #map}, {transform_indices = #map1}]} {
    %mul3A = arith.constant 2 : i32
    %mul3A_0 = arith.muli %arg1, %mul3A : i32
    %add3A = arith.addi %mul3A_0, %arg0 : i32
    %mul3A_1 = arith.constant 128 : i32
    %mul3A_2 = arith.muli %add3A, %mul3A_1 : i32
    "tpu.region"() ({
      %run_scoped3A = tpu.sem_alloc : memref<!tpu.dma_semaphore, #tpu.memory_space<semaphore_mem>>
      %dma_start3A_73 = arith.constant 0 : i32
      %dma_start3A_74 = tpu.memref_slice %arg3[%mul3A_2, %dma_start3A_73] : memref<4096x200xi32, #tpu.memory_space<hbm>> -> memref<128x200xi32, #tpu.memory_space<hbm>>
      %dma_start3A_75 = arith.constant 0 : i32
      %dma_start3A_76 = tpu.memref_slice %arg3[%mul3A_2, %dma_start3A_75] : memref<4096x200xi32, #tpu.memory_space<hbm>> -> memref<128x200xi32, #tpu.memory_space<hbm>>
      tpu.enqueue_dma source(%dma_start3A_76 : memref<128x200xi32, #tpu.memory_space<hbm>>) target(%arg5 : memref<128x200xi32, #tpu.memory_space<vmem>>) target_semaphore(%run_scoped3A : memref<!tpu.dma_semaphore, #tpu.memory_space<semaphore_mem>>)
      %dma_wait3A_77 = arith.constant 0 : i32
      %dma_wait3A_78 = tpu.memref_slice %arg3[%mul3A_2, %dma_wait3A_77] : memref<4096x200xi32, #tpu.memory_space<hbm>> -> memref<128x200xi32, #tpu.memory_space<hbm>>
      %dma_wait3A_79 = arith.constant 0 : i32
      %dma_wait3A_80 = tpu.memref_slice %arg3[%mul3A_2, %dma_wait3A_79] : memref<4096x200xi32, #tpu.memory_space<hbm>> -> memref<128x200xi32, #tpu.memory_space<hbm>>
      tpu.wait_dma2 semaphore(%run_scoped3A : memref<!tpu.dma_semaphore, #tpu.memory_space<semaphore_mem>>) src(%dma_wait3A_80 : memref<128x200xi32, #tpu.memory_space<hbm>>) dst(%arg5 : memref<128x200xi32, #tpu.memory_space<vmem>>)
      tpu.yield
    }) : () -> ()
    %dma_start3A = arith.constant 0 : i32
    %dma_start3A_3 = arith.constant 0 : i32
    %dma_start3A_4 = arith.constant 0 : i32
    %dma_start3A_5 = arith.constant 0 : i32
    %dma_start3A_6 = tpu.memref_slice %arg6[%dma_start3A_3, %dma_start3A_4, %dma_start3A_5] : memref<2x200x128xf32, #tpu.memory_space<vmem>> -> memref<1x200x128xf32, #tpu.memory_space<vmem>>
    %dma_start3A_7 = tpu.memref_squeeze %dma_start3A_6 : memref<1x200x128xf32, #tpu.memory_space<vmem>> -> memref<200x128xf32, #tpu.memory_space<vmem>>
    %dma_start3A_8 = arith.constant 0 : i32
    %dma_start3A_9 = arith.constant 0 : i32
    %dma_start3A_10 = tpu.memref_slice %dma_start3A_7[%dma_start3A_8, %dma_start3A_9] : memref<200x128xf32, #tpu.memory_space<vmem>> -> memref<128x128xf32, #tpu.memory_space<vmem>>
    %dma_start3A_11 = arith.constant 0 : i32
    %dma_start3A_12 = tpu.memref_slice %arg5[%dma_start3A, %dma_start3A_11] : memref<128x200xi32, #tpu.memory_space<vmem>> -> memref<1x200xi32, #tpu.memory_space<vmem>>
    %dma_start3A_13 = tpu.memref_squeeze %dma_start3A_12 : memref<1x200xi32, #tpu.memory_space<vmem>> -> memref<200xi32, #tpu.memory_space<vmem>>
    %dma_start3A_14 = arith.constant 0 : i32
    %dma_start3A_15 = tpu.memref_slice %dma_start3A_13[%dma_start3A_14] : memref<200xi32, #tpu.memory_space<vmem>> -> memref<128xi32, #tpu.memory_space<vmem>>
    %dma_start3A_16 = arith.constant 0 : i32
    %dma_start3A_17 = arith.constant 0 : i32
    %dma_start3A_18 = tpu.memref_slice %arg2[%dma_start3A_16, %dma_start3A_17] : memref<1000000x128xf32, #tpu.memory_space<hbm>> -> memref<1000000x128xf32, #tpu.memory_space<hbm>>
    tpu.enqueue_indirect_dma source(%dma_start3A_18 : memref<1000000x128xf32, #tpu.memory_space<hbm>>) target(%dma_start3A_10 : memref<128x128xf32, #tpu.memory_space<vmem>>) offsets(%dma_start3A_15 : memref<128xi32, #tpu.memory_space<vmem>>) semaphore(%arg7 : memref<!tpu.dma_semaphore, #tpu.memory_space<semaphore_mem>>)
    %dma_start3A_19 = arith.constant 0 : i32
    %dma_start3A_20 = arith.constant 0 : i32
    %dma_start3A_21 = arith.constant 0 : i32
    %dma_start3A_22 = arith.constant 0 : i32
    %dma_start3A_23 = tpu.memref_slice %arg6[%dma_start3A_20, %dma_start3A_21, %dma_start3A_22] : memref<2x200x128xf32, #tpu.memory_space<vmem>> -> memref<1x200x128xf32, #tpu.memory_space<vmem>>
    %dma_start3A_24 = tpu.memref_squeeze %dma_start3A_23 : memref<1x200x128xf32, #tpu.memory_space<vmem>> -> memref<200x128xf32, #tpu.memory_space<vmem>>
    %dma_start3A_25 = arith.constant 128 : i32
    %dma_start3A_26 = arith.constant 0 : i32
    %dma_start3A_27 = tpu.memref_slice %dma_start3A_24[%dma_start3A_25, %dma_start3A_26] : memref<200x128xf32, #tpu.memory_space<vmem>> -> memref<72x128xf32, #tpu.memory_space<vmem>>
    %dma_start3A_28 = arith.constant 0 : i32
    %dma_start3A_29 = tpu.memref_slice %arg5[%dma_start3A_19, %dma_start3A_28] : memref<128x200xi32, #tpu.memory_space<vmem>> -> memref<1x200xi32, #tpu.memory_space<vmem>>
    %dma_start3A_30 = tpu.memref_squeeze %dma_start3A_29 : memref<1x200xi32, #tpu.memory_space<vmem>> -> memref<200xi32, #tpu.memory_space<vmem>>
    %dma_start3A_31 = arith.constant 128 : i32
    %dma_start3A_32 = tpu.memref_slice %dma_start3A_30[%dma_start3A_31] : memref<200xi32, #tpu.memory_space<vmem>> -> memref<72xi32, #tpu.memory_space<vmem>>
    %dma_start3A_33 = arith.constant 0 : i32
    %dma_start3A_34 = arith.constant 0 : i32
    %dma_start3A_35 = tpu.memref_slice %arg2[%dma_start3A_33, %dma_start3A_34] : memref<1000000x128xf32, #tpu.memory_space<hbm>> -> memref<1000000x128xf32, #tpu.memory_space<hbm>>
    tpu.enqueue_indirect_dma source(%dma_start3A_35 : memref<1000000x128xf32, #tpu.memory_space<hbm>>) target(%dma_start3A_27 : memref<72x128xf32, #tpu.memory_space<vmem>>) offsets(%dma_start3A_32 : memref<72xi32, #tpu.memory_space<vmem>>) semaphore(%arg7 : memref<!tpu.dma_semaphore, #tpu.memory_space<semaphore_mem>>)
    %scan3A = arith.constant 0 : i32
    %scan3A_36 = arith.constant 64 : i32
    %scan3A_37 = arith.addi %scan3A, %scan3A_36 : i32
    %scan3A_38 = arith.constant 1 : i32
    scf.for %scan3A_73 = %scan3A to %scan3A_37 step %scan3A_38  : i32 {
      %mul3A_74 = arith.constant 2 : i32
      %mul3A_75 = arith.muli %scan3A_73, %mul3A_74 : i32
      %add3A_76 = arith.constant 0 : i32
      %add3A_77 = arith.addi %add3A_76, %mul3A_75 : i32
      %gt3A = arith.constant 0 : i32
      %gt3A_78 = arith.cmpi sgt, %add3A_77, %gt3A : i32
      %convert_element_type3A = arith.extui %gt3A_78 : i1 to i32
      %cond3A = arith.constant 0 : i32
      %cond3A_79 = arith.cmpi ne, %convert_element_type3A, %cond3A : i32
      scf.if %cond3A_79 {
        %dma_wait3A_192 = arith.constant 1 : i32
        %dma_wait3A_193 = arith.constant 0 : i32
        %dma_wait3A_194 = arith.constant 0 : i32
        %dma_wait3A_195 = tpu.memref_slice %arg6[%dma_wait3A_192, %dma_wait3A_193, %dma_wait3A_194] : memref<2x200x128xf32, #tpu.memory_space<vmem>> -> memref<1x200x128xf32, #tpu.memory_space<vmem>>
        %dma_wait3A_196 = tpu.memref_squeeze %dma_wait3A_195 : memref<1x200x128xf32, #tpu.memory_space<vmem>> -> memref<200x128xf32, #tpu.memory_space<vmem>>
        %dma_wait3A_197 = arith.constant 0 : i32
        %dma_wait3A_198 = arith.constant 0 : i32
        %dma_wait3A_199 = tpu.memref_slice %arg4[%mul3A_2, %dma_wait3A_197, %dma_wait3A_198] : memref<4096x200x128xf32, #tpu.memory_space<hbm>> -> memref<1x200x128xf32, #tpu.memory_space<hbm>>
        %dma_wait3A_200 = tpu.memref_squeeze %dma_wait3A_199 : memref<1x200x128xf32, #tpu.memory_space<hbm>> -> memref<200x128xf32, #tpu.memory_space<hbm>>
        %dma_wait3A_201 = arith.constant 0 : i32
        %dma_wait3A_202 = arith.constant 0 : i32
        %dma_wait3A_203 = tpu.memref_slice %arg4[%mul3A_2, %dma_wait3A_201, %dma_wait3A_202] : memref<4096x200x128xf32, #tpu.memory_space<hbm>> -> memref<1x200x128xf32, #tpu.memory_space<hbm>>
        %dma_wait3A_204 = tpu.memref_squeeze %dma_wait3A_203 : memref<1x200x128xf32, #tpu.memory_space<hbm>> -> memref<200x128xf32, #tpu.memory_space<hbm>>
        %dma_wait3A_205 = arith.constant 0 : i32
        %dma_wait3A_206 = arith.constant 0 : i32
        %dma_wait3A_207 = tpu.memref_slice %arg6[%dma_wait3A_192, %dma_wait3A_205, %dma_wait3A_206] : memref<2x200x128xf32, #tpu.memory_space<vmem>> -> memref<1x200x128xf32, #tpu.memory_space<vmem>>
        %dma_wait3A_208 = tpu.memref_squeeze %dma_wait3A_207 : memref<1x200x128xf32, #tpu.memory_space<vmem>> -> memref<200x128xf32, #tpu.memory_space<vmem>>
        tpu.wait_dma2 semaphore(%arg10 : memref<!tpu.dma_semaphore, #tpu.memory_space<semaphore_mem>>) src(%dma_wait3A_208 : memref<200x128xf32, #tpu.memory_space<vmem>>) dst(%dma_wait3A_204 : memref<200x128xf32, #tpu.memory_space<hbm>>)
      } else {
      }
      %add3A_80 = arith.constant 1 : i32
      %add3A_81 = arith.addi %add3A_77, %add3A_80 : i32
      %dma_start3A_82 = arith.constant 1 : i32
      %dma_start3A_83 = arith.constant 0 : i32
      %dma_start3A_84 = arith.constant 0 : i32
      %dma_start3A_85 = tpu.memref_slice %arg6[%dma_start3A_82, %dma_start3A_83, %dma_start3A_84] : memref<2x200x128xf32, #tpu.memory_space<vmem>> -> memref<1x200x128xf32, #tpu.memory_space<vmem>>
      %dma_start3A_86 = tpu.memref_squeeze %dma_start3A_85 : memref<1x200x128xf32, #tpu.memory_space<vmem>> -> memref<200x128xf32, #tpu.memory_space<vmem>>
      %dma_start3A_87 = arith.constant 0 : i32
      %dma_start3A_88 = arith.constant 0 : i32
      %dma_start3A_89 = tpu.memref_slice %dma_start3A_86[%dma_start3A_87, %dma_start3A_88] : memref<200x128xf32, #tpu.memory_space<vmem>> -> memref<128x128xf32, #tpu.memory_space<vmem>>
      %dma_start3A_90 = arith.constant 0 : i32
      %dma_start3A_91 = tpu.memref_slice %arg5[%add3A_81, %dma_start3A_90] : memref<128x200xi32, #tpu.memory_space<vmem>> -> memref<1x200xi32, #tpu.memory_space<vmem>>
      %dma_start3A_92 = tpu.memref_squeeze %dma_start3A_91 : memref<1x200xi32, #tpu.memory_space<vmem>> -> memref<200xi32, #tpu.memory_space<vmem>>
      %dma_start3A_93 = arith.constant 0 : i32
      %dma_start3A_94 = tpu.memref_slice %dma_start3A_92[%dma_start3A_93] : memref<200xi32, #tpu.memory_space<vmem>> -> memref<128xi32, #tpu.memory_space<vmem>>
      %dma_start3A_95 = arith.constant 0 : i32
      %dma_start3A_96 = arith.constant 0 : i32
      %dma_start3A_97 = tpu.memref_slice %arg2[%dma_start3A_95, %dma_start3A_96] : memref<1000000x128xf32, #tpu.memory_space<hbm>> -> memref<1000000x128xf32, #tpu.memory_space<hbm>>
      tpu.enqueue_indirect_dma source(%dma_start3A_97 : memref<1000000x128xf32, #tpu.memory_space<hbm>>) target(%dma_start3A_89 : memref<128x128xf32, #tpu.memory_space<vmem>>) offsets(%dma_start3A_94 : memref<128xi32, #tpu.memory_space<vmem>>) semaphore(%arg8 : memref<!tpu.dma_semaphore, #tpu.memory_space<semaphore_mem>>)
      %dma_start3A_98 = arith.constant 1 : i32
      %dma_start3A_99 = arith.constant 0 : i32
      %dma_start3A_100 = arith.constant 0 : i32
      %dma_start3A_101 = tpu.memref_slice %arg6[%dma_start3A_98, %dma_start3A_99, %dma_start3A_100] : memref<2x200x128xf32, #tpu.memory_space<vmem>> -> memref<1x200x128xf32, #tpu.memory_space<vmem>>
      %dma_start3A_102 = tpu.memref_squeeze %dma_start3A_101 : memref<1x200x128xf32, #tpu.memory_space<vmem>> -> memref<200x128xf32, #tpu.memory_space<vmem>>
      %dma_start3A_103 = arith.constant 128 : i32
      %dma_start3A_104 = arith.constant 0 : i32
      %dma_start3A_105 = tpu.memref_slice %dma_start3A_102[%dma_start3A_103, %dma_start3A_104] : memref<200x128xf32, #tpu.memory_space<vmem>> -> memref<72x128xf32, #tpu.memory_space<vmem>>
      %dma_start3A_106 = arith.constant 0 : i32
      %dma_start3A_107 = tpu.memref_slice %arg5[%add3A_81, %dma_start3A_106] : memref<128x200xi32, #tpu.memory_space<vmem>> -> memref<1x200xi32, #tpu.memory_space<vmem>>
      %dma_start3A_108 = tpu.memref_squeeze %dma_start3A_107 : memref<1x200xi32, #tpu.memory_space<vmem>> -> memref<200xi32, #tpu.memory_space<vmem>>
      %dma_start3A_109 = arith.constant 128 : i32
      %dma_start3A_110 = tpu.memref_slice %dma_start3A_108[%dma_start3A_109] : memref<200xi32, #tpu.memory_space<vmem>> -> memref<72xi32, #tpu.memory_space<vmem>>
      %dma_start3A_111 = arith.constant 0 : i32
      %dma_start3A_112 = arith.constant 0 : i32
      %dma_start3A_113 = tpu.memref_slice %arg2[%dma_start3A_111, %dma_start3A_112] : memref<1000000x128xf32, #tpu.memory_space<hbm>> -> memref<1000000x128xf32, #tpu.memory_space<hbm>>
      tpu.enqueue_indirect_dma source(%dma_start3A_113 : memref<1000000x128xf32, #tpu.memory_space<hbm>>) target(%dma_start3A_105 : memref<72x128xf32, #tpu.memory_space<vmem>>) offsets(%dma_start3A_110 : memref<72xi32, #tpu.memory_space<vmem>>) semaphore(%arg8 : memref<!tpu.dma_semaphore, #tpu.memory_space<semaphore_mem>>)
      %dma_wait3A_114 = arith.constant 0 : i32
      %dma_wait3A_115 = arith.constant 0 : i32
      %dma_wait3A_116 = arith.constant 0 : i32
      %dma_wait3A_117 = tpu.memref_slice %arg6[%dma_wait3A_114, %dma_wait3A_115, %dma_wait3A_116] : memref<2x200x128xf32, #tpu.memory_space<vmem>> -> memref<1x200x128xf32, #tpu.memory_space<vmem>>
      %dma_wait3A_118 = tpu.memref_squeeze %dma_wait3A_117 : memref<1x200x128xf32, #tpu.memory_space<vmem>> -> memref<200x128xf32, #tpu.memory_space<vmem>>
      %dma_wait3A_119 = arith.constant 0 : i32
      %dma_wait3A_120 = arith.constant 0 : i32
      %dma_wait3A_121 = tpu.memref_slice %arg4[%mul3A_2, %dma_wait3A_119, %dma_wait3A_120] : memref<4096x200x128xf32, #tpu.memory_space<hbm>> -> memref<1x200x128xf32, #tpu.memory_space<hbm>>
      %dma_wait3A_122 = tpu.memref_squeeze %dma_wait3A_121 : memref<1x200x128xf32, #tpu.memory_space<hbm>> -> memref<200x128xf32, #tpu.memory_space<hbm>>
      %dma_wait3A_123 = arith.constant 0 : i32
      %dma_wait3A_124 = arith.constant 0 : i32
      %dma_wait3A_125 = tpu.memref_slice %arg6[%dma_wait3A_114, %dma_wait3A_123, %dma_wait3A_124] : memref<2x200x128xf32, #tpu.memory_space<vmem>> -> memref<1x200x128xf32, #tpu.memory_space<vmem>>
      %dma_wait3A_126 = tpu.memref_squeeze %dma_wait3A_125 : memref<1x200x128xf32, #tpu.memory_space<vmem>> -> memref<200x128xf32, #tpu.memory_space<vmem>>
      %dma_wait3A_127 = arith.constant 0 : i32
      %dma_wait3A_128 = arith.constant 0 : i32
      %dma_wait3A_129 = tpu.memref_slice %arg4[%mul3A_2, %dma_wait3A_127, %dma_wait3A_128] : memref<4096x200x128xf32, #tpu.memory_space<hbm>> -> memref<1x200x128xf32, #tpu.memory_space<hbm>>
      %dma_wait3A_130 = tpu.memref_squeeze %dma_wait3A_129 : memref<1x200x128xf32, #tpu.memory_space<hbm>> -> memref<200x128xf32, #tpu.memory_space<hbm>>
      tpu.wait_dma2 semaphore(%arg7 : memref<!tpu.dma_semaphore, #tpu.memory_space<semaphore_mem>>) src(%dma_wait3A_130 : memref<200x128xf32, #tpu.memory_space<hbm>>) dst(%dma_wait3A_126 : memref<200x128xf32, #tpu.memory_space<vmem>>)
      %add3A_131 = arith.addi %mul3A_2, %add3A_77 : i32
      %dma_start3A_132 = arith.constant 0 : i32
      %dma_start3A_133 = arith.constant 0 : i32
      %dma_start3A_134 = arith.constant 0 : i32
      %dma_start3A_135 = tpu.memref_slice %arg6[%dma_start3A_132, %dma_start3A_133, %dma_start3A_134] : memref<2x200x128xf32, #tpu.memory_space<vmem>> -> memref<1x200x128xf32, #tpu.memory_space<vmem>>
      %dma_start3A_136 = tpu.memref_squeeze %dma_start3A_135 : memref<1x200x128xf32, #tpu.memory_space<vmem>> -> memref<200x128xf32, #tpu.memory_space<vmem>>
      %dma_start3A_137 = arith.constant 0 : i32
      %dma_start3A_138 = arith.constant 0 : i32
      %dma_start3A_139 = tpu.memref_slice %arg4[%add3A_131, %dma_start3A_137, %dma_start3A_138] : memref<4096x200x128xf32, #tpu.memory_space<hbm>> -> memref<1x200x128xf32, #tpu.memory_space<hbm>>
      %dma_start3A_140 = tpu.memref_squeeze %dma_start3A_139 : memref<1x200x128xf32, #tpu.memory_space<hbm>> -> memref<200x128xf32, #tpu.memory_space<hbm>>
      %dma_start3A_141 = arith.constant 0 : i32
      %dma_start3A_142 = arith.constant 0 : i32
      %dma_start3A_143 = tpu.memref_slice %arg4[%add3A_131, %dma_start3A_141, %dma_start3A_142] : memref<4096x200x128xf32, #tpu.memory_space<hbm>> -> memref<1x200x128xf32, #tpu.memory_space<hbm>>
      %dma_start3A_144 = tpu.memref_squeeze %dma_start3A_143 : memref<1x200x128xf32, #tpu.memory_space<hbm>> -> memref<200x128xf32, #tpu.memory_space<hbm>>
      %dma_start3A_145 = arith.constant 0 : i32
      %dma_start3A_146 = arith.constant 0 : i32
      %dma_start3A_147 = tpu.memref_slice %arg6[%dma_start3A_132, %dma_start3A_145, %dma_start3A_146] : memref<2x200x128xf32, #tpu.memory_space<vmem>> -> memref<1x200x128xf32, #tpu.memory_space<vmem>>
      %dma_start3A_148 = tpu.memref_squeeze %dma_start3A_147 : memref<1x200x128xf32, #tpu.memory_space<vmem>> -> memref<200x128xf32, #tpu.memory_space<vmem>>
      tpu.enqueue_dma source(%dma_start3A_148 : memref<200x128xf32, #tpu.memory_space<vmem>>) target(%dma_start3A_144 : memref<200x128xf32, #tpu.memory_space<hbm>>) target_semaphore(%arg9 : memref<!tpu.dma_semaphore, #tpu.memory_space<semaphore_mem>>)
      %add3A_149 = arith.constant 2 : i32
      %add3A_150 = arith.addi %add3A_77, %add3A_149 : i32
      %lt3A = arith.constant 128 : i32
      %lt3A_151 = arith.cmpi slt, %add3A_150, %lt3A : i32
      %convert_element_type3A_152 = arith.extui %lt3A_151 : i1 to i32
      %cond3A_153 = arith.constant 0 : i32
      %cond3A_154 = arith.cmpi ne, %convert_element_type3A_152, %cond3A_153 : i32
      scf.if %cond3A_154 {
        %dma_wait3A_192 = arith.constant 0 : i32
        %dma_wait3A_193 = arith.constant 0 : i32
        %dma_wait3A_194 = arith.constant 0 : i32
        %dma_wait3A_195 = tpu.memref_slice %arg6[%dma_wait3A_192, %dma_wait3A_193, %dma_wait3A_194] : memref<2x200x128xf32, #tpu.memory_space<vmem>> -> memref<1x200x128xf32, #tpu.memory_space<vmem>>
        %dma_wait3A_196 = tpu.memref_squeeze %dma_wait3A_195 : memref<1x200x128xf32, #tpu.memory_space<vmem>> -> memref<200x128xf32, #tpu.memory_space<vmem>>
        %dma_wait3A_197 = arith.constant 0 : i32
        %dma_wait3A_198 = arith.constant 0 : i32
        %dma_wait3A_199 = tpu.memref_slice %arg4[%mul3A_2, %dma_wait3A_197, %dma_wait3A_198] : memref<4096x200x128xf32, #tpu.memory_space<hbm>> -> memref<1x200x128xf32, #tpu.memory_space<hbm>>
        %dma_wait3A_200 = tpu.memref_squeeze %dma_wait3A_199 : memref<1x200x128xf32, #tpu.memory_space<hbm>> -> memref<200x128xf32, #tpu.memory_space<hbm>>
        %dma_wait3A_201 = arith.constant 0 : i32
        %dma_wait3A_202 = arith.constant 0 : i32
        %dma_wait3A_203 = tpu.memref_slice %arg4[%mul3A_2, %dma_wait3A_201, %dma_wait3A_202] : memref<4096x200x128xf32, #tpu.memory_space<hbm>> -> memref<1x200x128xf32, #tpu.memory_space<hbm>>
        %dma_wait3A_204 = tpu.memref_squeeze %dma_wait3A_203 : memref<1x200x128xf32, #tpu.memory_space<hbm>> -> memref<200x128xf32, #tpu.memory_space<hbm>>
        %dma_wait3A_205 = arith.constant 0 : i32
        %dma_wait3A_206 = arith.constant 0 : i32
        %dma_wait3A_207 = tpu.memref_slice %arg6[%dma_wait3A_192, %dma_wait3A_205, %dma_wait3A_206] : memref<2x200x128xf32, #tpu.memory_space<vmem>> -> memref<1x200x128xf32, #tpu.memory_space<vmem>>
        %dma_wait3A_208 = tpu.memref_squeeze %dma_wait3A_207 : memref<1x200x128xf32, #tpu.memory_space<vmem>> -> memref<200x128xf32, #tpu.memory_space<vmem>>
        tpu.wait_dma2 semaphore(%arg9 : memref<!tpu.dma_semaphore, #tpu.memory_space<semaphore_mem>>) src(%dma_wait3A_208 : memref<200x128xf32, #tpu.memory_space<vmem>>) dst(%dma_wait3A_204 : memref<200x128xf32, #tpu.memory_space<hbm>>)
        %add3A_209 = arith.constant 2 : i32
        %add3A_210 = arith.addi %add3A_77, %add3A_209 : i32
        %dma_start3A_211 = arith.constant 0 : i32
        %dma_start3A_212 = arith.constant 0 : i32
        %dma_start3A_213 = arith.constant 0 : i32
        %dma_start3A_214 = tpu.memref_slice %arg6[%dma_start3A_211, %dma_start3A_212, %dma_start3A_213] : memref<2x200x128xf32, #tpu.memory_space<vmem>> -> memref<1x200x128xf32, #tpu.memory_space<vmem>>
        %dma_start3A_215 = tpu.memref_squeeze %dma_start3A_214 : memref<1x200x128xf32, #tpu.memory_space<vmem>> -> memref<200x128xf32, #tpu.memory_space<vmem>>
        %dma_start3A_216 = arith.constant 0 : i32
        %dma_start3A_217 = arith.constant 0 : i32
        %dma_start3A_218 = tpu.memref_slice %dma_start3A_215[%dma_start3A_216, %dma_start3A_217] : memref<200x128xf32, #tpu.memory_space<vmem>> -> memref<128x128xf32, #tpu.memory_space<vmem>>
        %dma_start3A_219 = arith.constant 0 : i32
        %dma_start3A_220 = tpu.memref_slice %arg5[%add3A_210, %dma_start3A_219] : memref<128x200xi32, #tpu.memory_space<vmem>> -> memref<1x200xi32, #tpu.memory_space<vmem>>
        %dma_start3A_221 = tpu.memref_squeeze %dma_start3A_220 : memref<1x200xi32, #tpu.memory_space<vmem>> -> memref<200xi32, #tpu.memory_space<vmem>>
        %dma_start3A_222 = arith.constant 0 : i32
        %dma_start3A_223 = tpu.memref_slice %dma_start3A_221[%dma_start3A_222] : memref<200xi32, #tpu.memory_space<vmem>> -> memref<128xi32, #tpu.memory_space<vmem>>
        %dma_start3A_224 = arith.constant 0 : i32
        %dma_start3A_225 = arith.constant 0 : i32
        %dma_start3A_226 = tpu.memref_slice %arg2[%dma_start3A_224, %dma_start3A_225] : memref<1000000x128xf32, #tpu.memory_space<hbm>> -> memref<1000000x128xf32, #tpu.memory_space<hbm>>
        tpu.enqueue_indirect_dma source(%dma_start3A_226 : memref<1000000x128xf32, #tpu.memory_space<hbm>>) target(%dma_start3A_218 : memref<128x128xf32, #tpu.memory_space<vmem>>) offsets(%dma_start3A_223 : memref<128xi32, #tpu.memory_space<vmem>>) semaphore(%arg7 : memref<!tpu.dma_semaphore, #tpu.memory_space<semaphore_mem>>)
        %dma_start3A_227 = arith.constant 0 : i32
        %dma_start3A_228 = arith.constant 0 : i32
        %dma_start3A_229 = arith.constant 0 : i32
        %dma_start3A_230 = tpu.memref_slice %arg6[%dma_start3A_227, %dma_start3A_228, %dma_start3A_229] : memref<2x200x128xf32, #tpu.memory_space<vmem>> -> memref<1x200x128xf32, #tpu.memory_space<vmem>>
        %dma_start3A_231 = tpu.memref_squeeze %dma_start3A_230 : memref<1x200x128xf32, #tpu.memory_space<vmem>> -> memref<200x128xf32, #tpu.memory_space<vmem>>
        %dma_start3A_232 = arith.constant 128 : i32
        %dma_start3A_233 = arith.constant 0 : i32
        %dma_start3A_234 = tpu.memref_slice %dma_start3A_231[%dma_start3A_232, %dma_start3A_233] : memref<200x128xf32, #tpu.memory_space<vmem>> -> memref<72x128xf32, #tpu.memory_space<vmem>>
        %dma_start3A_235 = arith.constant 0 : i32
        %dma_start3A_236 = tpu.memref_slice %arg5[%add3A_210, %dma_start3A_235] : memref<128x200xi32, #tpu.memory_space<vmem>> -> memref<1x200xi32, #tpu.memory_space<vmem>>
        %dma_start3A_237 = tpu.memref_squeeze %dma_start3A_236 : memref<1x200xi32, #tpu.memory_space<vmem>> -> memref<200xi32, #tpu.memory_space<vmem>>
        %dma_start3A_238 = arith.constant 128 : i32
        %dma_start3A_239 = tpu.memref_slice %dma_start3A_237[%dma_start3A_238] : memref<200xi32, #tpu.memory_space<vmem>> -> memref<72xi32, #tpu.memory_space<vmem>>
        %dma_start3A_240 = arith.constant 0 : i32
        %dma_start3A_241 = arith.constant 0 : i32
        %dma_start3A_242 = tpu.memref_slice %arg2[%dma_start3A_240, %dma_start3A_241] : memref<1000000x128xf32, #tpu.memory_space<hbm>> -> memref<1000000x128xf32, #tpu.memory_space<hbm>>
        tpu.enqueue_indirect_dma source(%dma_start3A_242 : memref<1000000x128xf32, #tpu.memory_space<hbm>>) target(%dma_start3A_234 : memref<72x128xf32, #tpu.memory_space<vmem>>) offsets(%dma_start3A_239 : memref<72xi32, #tpu.memory_space<vmem>>) semaphore(%arg7 : memref<!tpu.dma_semaphore, #tpu.memory_space<semaphore_mem>>)
      } else {
      }
      %dma_wait3A_155 = arith.constant 1 : i32
      %dma_wait3A_156 = arith.constant 0 : i32
      %dma_wait3A_157 = arith.constant 0 : i32
      %dma_wait3A_158 = tpu.memref_slice %arg6[%dma_wait3A_155, %dma_wait3A_156, %dma_wait3A_157] : memref<2x200x128xf32, #tpu.memory_space<vmem>> -> memref<1x200x128xf32, #tpu.memory_space<vmem>>
      %dma_wait3A_159 = tpu.memref_squeeze %dma_wait3A_158 : memref<1x200x128xf32, #tpu.memory_space<vmem>> -> memref<200x128xf32, #tpu.memory_space<vmem>>
      %dma_wait3A_160 = arith.constant 0 : i32
      %dma_wait3A_161 = arith.constant 0 : i32
      %dma_wait3A_162 = tpu.memref_slice %arg4[%mul3A_2, %dma_wait3A_160, %dma_wait3A_161] : memref<4096x200x128xf32, #tpu.memory_space<hbm>> -> memref<1x200x128xf32, #tpu.memory_space<hbm>>
      %dma_wait3A_163 = tpu.memref_squeeze %dma_wait3A_162 : memref<1x200x128xf32, #tpu.memory_space<hbm>> -> memref<200x128xf32, #tpu.memory_space<hbm>>
      %dma_wait3A_164 = arith.constant 0 : i32
      %dma_wait3A_165 = arith.constant 0 : i32
      %dma_wait3A_166 = tpu.memref_slice %arg6[%dma_wait3A_155, %dma_wait3A_164, %dma_wait3A_165] : memref<2x200x128xf32, #tpu.memory_space<vmem>> -> memref<1x200x128xf32, #tpu.memory_space<vmem>>
      %dma_wait3A_167 = tpu.memref_squeeze %dma_wait3A_166 : memref<1x200x128xf32, #tpu.memory_space<vmem>> -> memref<200x128xf32, #tpu.memory_space<vmem>>
      %dma_wait3A_168 = arith.constant 0 : i32
      %dma_wait3A_169 = arith.constant 0 : i32
      %dma_wait3A_170 = tpu.memref_slice %arg4[%mul3A_2, %dma_wait3A_168, %dma_wait3A_169] : memref<4096x200x128xf32, #tpu.memory_space<hbm>> -> memref<1x200x128xf32, #tpu.memory_space<hbm>>
      %dma_wait3A_171 = tpu.memref_squeeze %dma_wait3A_170 : memref<1x200x128xf32, #tpu.memory_space<hbm>> -> memref<200x128xf32, #tpu.memory_space<hbm>>
      tpu.wait_dma2 semaphore(%arg8 : memref<!tpu.dma_semaphore, #tpu.memory_space<semaphore_mem>>) src(%dma_wait3A_171 : memref<200x128xf32, #tpu.memory_space<hbm>>) dst(%dma_wait3A_167 : memref<200x128xf32, #tpu.memory_space<vmem>>)
      %add3A_172 = arith.constant 1 : i32
      %add3A_173 = arith.addi %add3A_77, %add3A_172 : i32
      %add3A_174 = arith.addi %mul3A_2, %add3A_173 : i32
      %dma_start3A_175 = arith.constant 1 : i32
      %dma_start3A_176 = arith.constant 0 : i32
      %dma_start3A_177 = arith.constant 0 : i32
      %dma_start3A_178 = tpu.memref_slice %arg6[%dma_start3A_175, %dma_start3A_176, %dma_start3A_177] : memref<2x200x128xf32, #tpu.memory_space<vmem>> -> memref<1x200x128xf32, #tpu.memory_space<vmem>>
      %dma_start3A_179 = tpu.memref_squeeze %dma_start3A_178 : memref<1x200x128xf32, #tpu.memory_space<vmem>> -> memref<200x128xf32, #tpu.memory_space<vmem>>
      %dma_start3A_180 = arith.constant 0 : i32
      %dma_start3A_181 = arith.constant 0 : i32
      %dma_start3A_182 = tpu.memref_slice %arg4[%add3A_174, %dma_start3A_180, %dma_start3A_181] : memref<4096x200x128xf32, #tpu.memory_space<hbm>> -> memref<1x200x128xf32, #tpu.memory_space<hbm>>
      %dma_start3A_183 = tpu.memref_squeeze %dma_start3A_182 : memref<1x200x128xf32, #tpu.memory_space<hbm>> -> memref<200x128xf32, #tpu.memory_space<hbm>>
      %dma_start3A_184 = arith.constant 0 : i32
      %dma_start3A_185 = arith.constant 0 : i32
      %dma_start3A_186 = tpu.memref_slice %arg4[%add3A_174, %dma_start3A_184, %dma_start3A_185] : memref<4096x200x128xf32, #tpu.memory_space<hbm>> -> memref<1x200x128xf32, #tpu.memory_space<hbm>>
      %dma_start3A_187 = tpu.memref_squeeze %dma_start3A_186 : memref<1x200x128xf32, #tpu.memory_space<hbm>> -> memref<200x128xf32, #tpu.memory_space<hbm>>
      %dma_start3A_188 = arith.constant 0 : i32
      %dma_start3A_189 = arith.constant 0 : i32
      %dma_start3A_190 = tpu.memref_slice %arg6[%dma_start3A_175, %dma_start3A_188, %dma_start3A_189] : memref<2x200x128xf32, #tpu.memory_space<vmem>> -> memref<1x200x128xf32, #tpu.memory_space<vmem>>
      %dma_start3A_191 = tpu.memref_squeeze %dma_start3A_190 : memref<1x200x128xf32, #tpu.memory_space<vmem>> -> memref<200x128xf32, #tpu.memory_space<vmem>>
      tpu.enqueue_dma source(%dma_start3A_191 : memref<200x128xf32, #tpu.memory_space<vmem>>) target(%dma_start3A_187 : memref<200x128xf32, #tpu.memory_space<hbm>>) target_semaphore(%arg10 : memref<!tpu.dma_semaphore, #tpu.memory_space<semaphore_mem>>)
    }
    %scan3A_39 = arith.constant 64 : i32
    %dma_wait3A = arith.constant 0 : i32
    %dma_wait3A_40 = arith.constant 0 : i32
    %dma_wait3A_41 = arith.constant 0 : i32
    %dma_wait3A_42 = tpu.memref_slice %arg6[%dma_wait3A, %dma_wait3A_40, %dma_wait3A_41] : memref<2x200x128xf32, #tpu.memory_space<vmem>> -> memref<1x200x128xf32, #tpu.memory_space<vmem>>
    %dma_wait3A_43 = tpu.memref_squeeze %dma_wait3A_42 : memref<1x200x128xf32, #tpu.memory_space<vmem>> -> memref<200x128xf32, #tpu.memory_space<vmem>>
    %dma_wait3A_44 = arith.constant 0 : i32
    %dma_wait3A_45 = arith.constant 0 : i32
    %dma_wait3A_46 = tpu.memref_slice %arg4[%mul3A_2, %dma_wait3A_44, %dma_wait3A_45] : memref<4096x200x128xf32, #tpu.memory_space<hbm>> -> memref<1x200x128xf32, #tpu.memory_space<hbm>>
    %dma_wait3A_47 = tpu.memref_squeeze %dma_wait3A_46 : memref<1x200x128xf32, #tpu.memory_space<hbm>> -> memref<200x128xf32, #tpu.memory_space<hbm>>
    %dma_wait3A_48 = arith.constant 0 : i32
    %dma_wait3A_49 = arith.constant 0 : i32
    %dma_wait3A_50 = tpu.memref_slice %arg4[%mul3A_2, %dma_wait3A_48, %dma_wait3A_49] : memref<4096x200x128xf32, #tpu.memory_space<hbm>> -> memref<1x200x128xf32, #tpu.memory_space<hbm>>
    %dma_wait3A_51 = tpu.memref_squeeze %dma_wait3A_50 : memref<1x200x128xf32, #tpu.memory_space<hbm>> -> memref<200x128xf32, #tpu.memory_space<hbm>>
    %dma_wait3A_52 = arith.constant 0 : i32
    %dma_wait3A_53 = arith.constant 0 : i32
    %dma_wait3A_54 = tpu.memref_slice %arg6[%dma_wait3A, %dma_wait3A_52, %dma_wait3A_53] : memref<2x200x128xf32, #tpu.memory_space<vmem>> -> memref<1x200x128xf32, #tpu.memory_space<vmem>>
    %dma_wait3A_55 = tpu.memref_squeeze %dma_wait3A_54 : memref<1x200x128xf32, #tpu.memory_space<vmem>> -> memref<200x128xf32, #tpu.memory_space<vmem>>
    tpu.wait_dma2 semaphore(%arg9 : memref<!tpu.dma_semaphore, #tpu.memory_space<semaphore_mem>>) src(%dma_wait3A_55 : memref<200x128xf32, #tpu.memory_space<vmem>>) dst(%dma_wait3A_51 : memref<200x128xf32, #tpu.memory_space<hbm>>)
    %dma_wait3A_56 = arith.constant 1 : i32
    %dma_wait3A_57 = arith.constant 0 : i32
    %dma_wait3A_58 = arith.constant 0 : i32
    %dma_wait3A_59 = tpu.memref_slice %arg6[%dma_wait3A_56, %dma_wait3A_57, %dma_wait3A_58] : memref<2x200x128xf32, #tpu.memory_space<vmem>> -> memref<1x200x128xf32, #tpu.memory_space<vmem>>
    %dma_wait3A_60 = tpu.memref_squeeze %dma_wait3A_59 : memref<1x200x128xf32, #tpu.memory_space<vmem>> -> memref<200x128xf32, #tpu.memory_space<vmem>>
    %dma_wait3A_61 = arith.constant 0 : i32
    %dma_wait3A_62 = arith.constant 0 : i32
    %dma_wait3A_63 = tpu.memref_slice %arg4[%mul3A_2, %dma_wait3A_61, %dma_wait3A_62] : memref<4096x200x128xf32, #tpu.memory_space<hbm>> -> memref<1x200x128xf32, #tpu.memory_space<hbm>>
    %dma_wait3A_64 = tpu.memref_squeeze %dma_wait3A_63 : memref<1x200x128xf32, #tpu.memory_space<hbm>> -> memref<200x128xf32, #tpu.memory_space<hbm>>
    %dma_wait3A_65 = arith.constant 0 : i32
    %dma_wait3A_66 = arith.constant 0 : i32
    %dma_wait3A_67 = tpu.memref_slice %arg4[%mul3A_2, %dma_wait3A_65, %dma_wait3A_66] : memref<4096x200x128xf32, #tpu.memory_space<hbm>> -> memref<1x200x128xf32, #tpu.memory_space<hbm>>
    %dma_wait3A_68 = tpu.memref_squeeze %dma_wait3A_67 : memref<1x200x128xf32, #tpu.memory_space<hbm>> -> memref<200x128xf32, #tpu.memory_space<hbm>>
    %dma_wait3A_69 = arith.constant 0 : i32
    %dma_wait3A_70 = arith.constant 0 : i32
    %dma_wait3A_71 = tpu.memref_slice %arg6[%dma_wait3A_56, %dma_wait3A_69, %dma_wait3A_70] : memref<2x200x128xf32, #tpu.memory_space<vmem>> -> memref<1x200x128xf32, #tpu.memory_space<vmem>>
    %dma_wait3A_72 = tpu.memref_squeeze %dma_wait3A_71 : memref<1x200x128xf32, #tpu.memory_space<vmem>> -> memref<200x128xf32, #tpu.memory_space<vmem>>
    tpu.wait_dma2 semaphore(%arg10 : memref<!tpu.dma_semaphore, #tpu.memory_space<semaphore_mem>>) src(%dma_wait3A_72 : memref<200x128xf32, #tpu.memory_space<vmem>>) dst(%dma_wait3A_68 : memref<200x128xf32, #tpu.memory_space<hbm>>)
    return
  }
}

module attributes {stable_mosaic.version = 14 : i64} {
  func.func @tk(%arg0: i32, %arg1: memref<64x1000000xf32, #tpu.memory_space<any>>, %arg2: memref<1000000x128xf32, #tpu.memory_space<any>>) attributes {dimension_semantics = [#tpu.dimension_semantics<parallel>], iteration_bounds = array<i64: 2>, scalar_prefetch = 0 : i64, scratch_operands = 0 : i64, tpu.core_type = #tpu.core_type<tc>, window_params = [{}, {}]} {
    %lt3A = arith.constant 1 : i32
    %lt3A_0 = arith.cmpi slt, %arg0, %lt3A : i32
    %jit3A = arith.constant 62 : i32
    %jit3A_1 = arith.constant 61 : i32
    %select_n3A = arith.select %lt3A_0, %jit3A, %jit3A_1 : i32
    %lt3A_2 = arith.constant 1 : i32
    %lt3A_3 = arith.cmpi slt, %arg0, %lt3A_2 : i32
    %mul3A = arith.muli %arg0, %select_n3A : i32
    %mul3A_4 = arith.constant 61 : i32
    %mul3A_5 = arith.muli %arg0, %mul3A_4 : i32
    %add3A = arith.constant 1 : i32
    %add3A_6 = arith.addi %mul3A_5, %add3A : i32
    %select_n3A_7 = arith.select %lt3A_3, %mul3A, %add3A_6 : i32
    %mul3A_8 = arith.constant 1 : i32
    %mul3A_9 = arith.muli %mul3A_8, %select_n3A : i32
    "tpu.region"() ({
      %run_scoped3A = memref.alloca() : memref<2x64x8192xf32, #tpu.memory_space<vmem>>
      %run_scoped3A_10 = tpu.sem_alloc : memref<2x!tpu.dma_semaphore, #tpu.memory_space<semaphore_mem>>
      %run_scoped3A_11 = memref.alloca() : memref<2x8192x128xf32, #tpu.memory_space<vmem>>
      %run_scoped3A_12 = tpu.sem_alloc : memref<2x!tpu.dma_semaphore, #tpu.memory_space<semaphore_mem>>
      %gt3A = arith.constant 0 : i32
      %gt3A_13 = arith.cmpi sgt, %mul3A_9, %gt3A : i32
      %convert_element_type3A = arith.extui %gt3A_13 : i1 to i32
      %cond3A = arith.constant 0 : i32
      %cond3A_14 = arith.cmpi ne, %convert_element_type3A, %cond3A : i32
      scf.if %cond3A_14 {
        %mul3A_15 = arith.constant 1 : i32
        %mul3A_16 = arith.muli %mul3A_15, %select_n3A : i32
        %sub3A = arith.constant 1 : i32
        %sub3A_17 = arith.subi %mul3A_16, %sub3A : i32
        %eq3A = arith.constant 0 : i32
        %eq3A_18 = arith.cmpi eq, %sub3A_17, %eq3A : i32
        %add3A_19 = arith.constant 0 : i32
        %add3A_20 = arith.addi %add3A_19, %select_n3A_7 : i32
        %select_n3A_21 = arith.constant true
        %select_n3A_22 = arith.constant 0 : i32
        %select_n3A_23 = arith.constant -1 : i32
        %select_n3A_24 = arith.select %select_n3A_21, %select_n3A_23, %select_n3A_22 : i32
        %eq3A_25 = arith.constant -1 : i32
        %eq3A_26 = arith.cmpi eq, %select_n3A_24, %eq3A_25 : i32
        %sub3A_27 = arith.constant 1 : i32
        %sub3A_28 = arith.subi %select_n3A, %sub3A_27 : i32
        %select_n3A_29 = arith.select %eq3A_26, %sub3A_28, %select_n3A_24 : i32
        %add3A_30 = arith.addi %select_n3A_29, %select_n3A_7 : i32
        %select_n3A_31 = arith.constant true
        %select_n3A_32 = arith.constant 0 : i32
        %select_n3A_33 = arith.constant 1 : i32
        %select_n3A_34 = arith.select %select_n3A_31, %select_n3A_33, %select_n3A_32 : i32
        %eq3A_35 = arith.cmpi eq, %select_n3A_34, %select_n3A : i32
        %select_n3A_36 = arith.constant 0 : i32
        %select_n3A_37 = arith.select %eq3A_35, %select_n3A_36, %select_n3A_34 : i32
        %add3A_38 = arith.addi %select_n3A_37, %select_n3A_7 : i32
        %add3A_39 = arith.constant 1 : i32
        %add3A_40 = arith.addi %select_n3A_37, %add3A_39 : i32
        %select_n3A_41 = arith.constant true
        %select_n3A_42 = arith.select %select_n3A_41, %add3A_40, %select_n3A_37 : i32
        %eq3A_43 = arith.cmpi eq, %select_n3A_42, %select_n3A : i32
        %select_n3A_44 = arith.constant 0 : i32
        %select_n3A_45 = arith.select %eq3A_43, %select_n3A_44, %select_n3A_42 : i32
        %add3A_46 = arith.addi %select_n3A_45, %select_n3A_7 : i32
        "tpu.trace_start"() <{level = 10 : i32, message = "ep_initialize_0"}> : () -> ()
        %rem3A = arith.constant 0 : i32
        %rem3A_47 = arith.constant 2 : i32
        %rem3A_48 = arith.remui %rem3A, %rem3A_47 : i32
        %mul3A_49 = arith.constant 8192 : i32
        %mul3A_50 = arith.muli %mul3A_49, %add3A_20 : i32
        %eq3A_51 = arith.constant 122 : i32
        %eq3A_52 = arith.cmpi eq, %add3A_20, %eq3A_51 : i32
        %jit3A_53 = arith.constant 640 : i32
        %jit3A_54 = arith.constant 8192 : i32
        %select_n3A_55 = arith.select %eq3A_52, %jit3A_53, %jit3A_54 : i32
        %multiple_of3A = tpu.assume_multiple %select_n3A_55, 128 : i32
        %mul3A_56 = arith.constant 8192 : i32
        %mul3A_57 = arith.muli %add3A_20, %mul3A_56 : i32
        %dma_start3A = tpu.memref_slice %run_scoped3A_10[%rem3A_48] : memref<2x!tpu.dma_semaphore, #tpu.memory_space<semaphore_mem>> -> memref<1x!tpu.dma_semaphore, #tpu.memory_space<semaphore_mem>>
        %dma_start3A_58 = tpu.memref_squeeze %dma_start3A : memref<1x!tpu.dma_semaphore, #tpu.memory_space<semaphore_mem>> -> memref<!tpu.dma_semaphore, #tpu.memory_space<semaphore_mem>>
        %dma_start3A_59 = arith.constant 0 : i32
        %dma_start3A_60 = arith.constant 0 : i32
        %dma_start3A_61 = tpu.memref_slice %run_scoped3A[%rem3A_48, %dma_start3A_59, %dma_start3A_60] <%multiple_of3A> : memref<2x64x8192xf32, #tpu.memory_space<vmem>> -> memref<1x64x?xf32, #tpu.memory_space<vmem>>
        %dma_start3A_62 = tpu.memref_squeeze %dma_start3A_61 : memref<1x64x?xf32, #tpu.memory_space<vmem>> -> memref<64x?xf32, #tpu.memory_space<vmem>>
        %dma_start3A_63 = arith.constant 0 : i32
        %dma_start3A_64 = tpu.memref_slice %arg1[%dma_start3A_63, %mul3A_57] <%multiple_of3A> : memref<64x1000000xf32, #tpu.memory_space<any>> -> memref<64x?xf32, #tpu.memory_space<any>>
        tpu.enqueue_dma source(%dma_start3A_64 : memref<64x?xf32, #tpu.memory_space<any>>) target(%dma_start3A_62 : memref<64x?xf32, #tpu.memory_space<vmem>>) target_semaphore(%dma_start3A_58 : memref<!tpu.dma_semaphore, #tpu.memory_space<semaphore_mem>>)
        %add3A_65 = arith.constant 0 : i32
        %add3A_66 = arith.constant 1 : i32
        %add3A_67 = arith.addi %add3A_65, %add3A_66 : i32
        %select_n3A_68 = arith.constant true
        %select_n3A_69 = arith.constant 0 : i32
        %select_n3A_70 = arith.select %select_n3A_68, %add3A_67, %select_n3A_69 : i32
        %while3A = arith.constant 0 : i32
        %while3A_71 = arith.constant 0 : i32
        %while3A_72 = arith.constant 0 : i32
        %while3A_73 = arith.constant 0 : i32
        %while3A_74 = arith.constant 0 : i32
        "tpu.trace_stop"() : () -> ()
        %while3A_75 = arith.subi %mul3A_9, %while3A : i32
        %while3A_76 = arith.addi %while3A, %while3A_75 : i32
        %while3A_77 = arith.constant 1 : i32
        %while3A_78 = arith.divsi %while3A_75, %while3A_77 : i32
        %while3A_79 = arith.muli %while3A_78, %while3A_77 : i32
        %while3A_80 = arith.addi %while3A, %while3A_79 : i32
        %while3A_81 = arith.constant 1 : i32
        %while3A_82:5 = scf.for %while3A_136 = %while3A to %while3A_80 step %while3A_81 iter_args(%while3A_137 = %select_n3A_70, %while3A_138 = %while3A_71, %while3A_139 = %while3A_72, %while3A_140 = %while3A_73, %while3A_141 = %while3A_74) -> (i32, i32, i32, i32, i32)  : i32 {
          %mul3A_142 = arith.constant 1 : i32
          %mul3A_143 = arith.muli %mul3A_142, %select_n3A : i32
          %eq3A_144 = arith.constant 0 : i32
          %eq3A_145 = arith.cmpi eq, %while3A_136, %eq3A_144 : i32
          %sub3A_146 = arith.constant 1 : i32
          %sub3A_147 = arith.subi %mul3A_143, %sub3A_146 : i32
          %eq3A_148 = arith.cmpi eq, %while3A_136, %sub3A_147 : i32
          %add3A_149 = arith.addi %while3A_141, %select_n3A_7 : i32
          %sub3A_150 = arith.constant 1 : i32
          %sub3A_151 = arith.subi %while3A_141, %sub3A_150 : i32
          %select_n3A_152 = arith.constant true
          %select_n3A_153 = arith.select %select_n3A_152, %sub3A_151, %while3A_141 : i32
          %eq3A_154 = arith.constant -1 : i32
          %eq3A_155 = arith.cmpi eq, %select_n3A_153, %eq3A_154 : i32
          %sub3A_156 = arith.constant 1 : i32
          %sub3A_157 = arith.subi %select_n3A, %sub3A_156 : i32
          %select_n3A_158 = arith.select %eq3A_155, %sub3A_157, %select_n3A_153 : i32
          %add3A_159 = arith.addi %select_n3A_158, %select_n3A_7 : i32
          %add3A_160 = arith.constant 1 : i32
          %add3A_161 = arith.addi %while3A_141, %add3A_160 : i32
          %select_n3A_162 = arith.constant true
          %select_n3A_163 = arith.select %select_n3A_162, %add3A_161, %while3A_141 : i32
          %eq3A_164 = arith.cmpi eq, %select_n3A_163, %select_n3A : i32
          %select_n3A_165 = arith.constant 0 : i32
          %select_n3A_166 = arith.select %eq3A_164, %select_n3A_165, %select_n3A_163 : i32
          %add3A_167 = arith.addi %select_n3A_166, %select_n3A_7 : i32
          %add3A_168 = arith.constant 1 : i32
          %add3A_169 = arith.addi %select_n3A_166, %add3A_168 : i32
          %select_n3A_170 = arith.constant true
          %select_n3A_171 = arith.select %select_n3A_170, %add3A_169, %select_n3A_166 : i32
          %eq3A_172 = arith.cmpi eq, %select_n3A_171, %select_n3A : i32
          %select_n3A_173 = arith.constant 0 : i32
          %select_n3A_174 = arith.select %eq3A_172, %select_n3A_173, %select_n3A_171 : i32
          %add3A_175 = arith.addi %select_n3A_174, %select_n3A_7 : i32
          %ne3A = arith.cmpi ne, %add3A_149, %add3A_167 : i32
          %or3A = arith.constant false
          %or3A_176 = arith.ori %or3A, %ne3A : i1
          %sub3A_177 = arith.constant 2 : i32
          %sub3A_178 = arith.subi %mul3A_143, %sub3A_177 : i32
          %add3A_179 = arith.constant 1 : i32
          %add3A_180 = arith.addi %sub3A_178, %add3A_179 : i32
          %ge3A = arith.cmpi sge, %while3A_136, %add3A_180 : i32
          %not3A = arith.constant true
          %not3A_181 = arith.xori %ge3A, %not3A : i1
          %and3A = arith.andi %or3A_176, %not3A_181 : i1
          %convert_element_type3A_182 = arith.extui %and3A : i1 to i32
          %cond3A_183 = arith.constant 0 : i32
          %cond3A_184 = arith.cmpi ne, %convert_element_type3A_182, %cond3A_183 : i32
          scf.if %cond3A_184 {
            "tpu.trace_start"() <{level = 10 : i32, message = "ep_copy_in"}> : () -> ()
            %rem3A_297 = arith.constant 2 : i32
            %rem3A_298 = arith.remui %while3A_137, %rem3A_297 : i32
            %mul3A_299 = arith.constant 8192 : i32
            %mul3A_300 = arith.muli %mul3A_299, %add3A_167 : i32
            %eq3A_301 = arith.constant 122 : i32
            %eq3A_302 = arith.cmpi eq, %add3A_167, %eq3A_301 : i32
            %jit3A_303 = arith.constant 640 : i32
            %jit3A_304 = arith.constant 8192 : i32
            %select_n3A_305 = arith.select %eq3A_302, %jit3A_303, %jit3A_304 : i32
            %multiple_of3A_306 = tpu.assume_multiple %select_n3A_305, 128 : i32
            %mul3A_307 = arith.constant 8192 : i32
            %mul3A_308 = arith.muli %add3A_167, %mul3A_307 : i32
            %dma_start3A_309 = tpu.memref_slice %run_scoped3A_10[%rem3A_298] : memref<2x!tpu.dma_semaphore, #tpu.memory_space<semaphore_mem>> -> memref<1x!tpu.dma_semaphore, #tpu.memory_space<semaphore_mem>>
            %dma_start3A_310 = tpu.memref_squeeze %dma_start3A_309 : memref<1x!tpu.dma_semaphore, #tpu.memory_space<semaphore_mem>> -> memref<!tpu.dma_semaphore, #tpu.memory_space<semaphore_mem>>
            %dma_start3A_311 = arith.constant 0 : i32
            %dma_start3A_312 = arith.constant 0 : i32
            %dma_start3A_313 = tpu.memref_slice %run_scoped3A[%rem3A_298, %dma_start3A_311, %dma_start3A_312] <%multiple_of3A_306> : memref<2x64x8192xf32, #tpu.memory_space<vmem>> -> memref<1x64x?xf32, #tpu.memory_space<vmem>>
            %dma_start3A_314 = tpu.memref_squeeze %dma_start3A_313 : memref<1x64x?xf32, #tpu.memory_space<vmem>> -> memref<64x?xf32, #tpu.memory_space<vmem>>
            %dma_start3A_315 = arith.constant 0 : i32
            %dma_start3A_316 = tpu.memref_slice %arg1[%dma_start3A_315, %mul3A_308] <%multiple_of3A_306> : memref<64x1000000xf32, #tpu.memory_space<any>> -> memref<64x?xf32, #tpu.memory_space<any>>
            tpu.enqueue_dma source(%dma_start3A_316 : memref<64x?xf32, #tpu.memory_space<any>>) target(%dma_start3A_314 : memref<64x?xf32, #tpu.memory_space<vmem>>) target_semaphore(%dma_start3A_310 : memref<!tpu.dma_semaphore, #tpu.memory_space<semaphore_mem>>)
            "tpu.trace_stop"() : () -> ()
          } else {
          }
          %and3A_185 = arith.constant true
          %and3A_186 = arith.andi %and3A, %and3A_185 : i1
          %add3A_187 = arith.constant 1 : i32
          %add3A_188 = arith.addi %while3A_137, %add3A_187 : i32
          %select_n3A_189 = arith.select %and3A_186, %add3A_188, %while3A_137 : i32
          %ne3A_190 = arith.cmpi ne, %add3A_149, %add3A_167 : i32
          %or3A_191 = arith.constant false
          %or3A_192 = arith.ori %or3A_191, %ne3A_190 : i1
          %or3A_193 = arith.constant false
          %or3A_194 = arith.ori %or3A_192, %or3A_193 : i1
          %sub3A_195 = arith.constant 2 : i32
          %sub3A_196 = arith.subi %mul3A_143, %sub3A_195 : i32
          %add3A_197 = arith.constant 1 : i32
          %add3A_198 = arith.addi %sub3A_196, %add3A_197 : i32
          %ge3A_199 = arith.cmpi sge, %while3A_136, %add3A_198 : i32
          %not3A_200 = arith.constant true
          %not3A_201 = arith.xori %ge3A_199, %not3A_200 : i1
          %and3A_202 = arith.andi %or3A_194, %not3A_201 : i1
          %ne3A_203 = arith.cmpi ne, %add3A_149, %add3A_159 : i32
          %or3A_204 = arith.constant false
          %or3A_205 = arith.ori %or3A_204, %ne3A_203 : i1
          %or3A_206 = arith.ori %or3A_205, %eq3A_145 : i1
          %convert_element_type3A_207 = arith.extui %or3A_206 : i1 to i32
          %cond3A_208 = arith.constant 0 : i32
          %cond3A_209 = arith.cmpi ne, %convert_element_type3A_207, %cond3A_208 : i32
          scf.if %cond3A_209 {
            "tpu.trace_start"() <{level = 10 : i32, message = "ep_wait_in"}> : () -> ()
            %mul3A_297 = arith.constant 8192 : i32
            %mul3A_298 = arith.muli %mul3A_297, %add3A_149 : i32
            %eq3A_299 = arith.constant 122 : i32
            %eq3A_300 = arith.cmpi eq, %add3A_149, %eq3A_299 : i32
            %jit3A_301 = arith.constant 640 : i32
            %jit3A_302 = arith.constant 8192 : i32
            %select_n3A_303 = arith.select %eq3A_300, %jit3A_301, %jit3A_302 : i32
            %multiple_of3A_304 = tpu.assume_multiple %select_n3A_303, 128 : i32
            %mul3A_305 = arith.constant 8192 : i32
            %mul3A_306 = arith.muli %add3A_149, %mul3A_305 : i32
            %rem3A_307 = arith.constant 2 : i32
            %rem3A_308 = arith.remui %while3A_138, %rem3A_307 : i32
            %dma_wait3A = tpu.memref_slice %run_scoped3A_10[%rem3A_308] : memref<2x!tpu.dma_semaphore, #tpu.memory_space<semaphore_mem>> -> memref<1x!tpu.dma_semaphore, #tpu.memory_space<semaphore_mem>>
            %dma_wait3A_309 = tpu.memref_squeeze %dma_wait3A : memref<1x!tpu.dma_semaphore, #tpu.memory_space<semaphore_mem>> -> memref<!tpu.dma_semaphore, #tpu.memory_space<semaphore_mem>>
            %dma_wait3A_310 = arith.constant 0 : i32
            %dma_wait3A_311 = arith.constant 0 : i32
            %dma_wait3A_312 = tpu.memref_slice %run_scoped3A[%rem3A_308, %dma_wait3A_310, %dma_wait3A_311] <%multiple_of3A_304> : memref<2x64x8192xf32, #tpu.memory_space<vmem>> -> memref<1x64x?xf32, #tpu.memory_space<vmem>>
            %dma_wait3A_313 = tpu.memref_squeeze %dma_wait3A_312 : memref<1x64x?xf32, #tpu.memory_space<vmem>> -> memref<64x?xf32, #tpu.memory_space<vmem>>
            %dma_wait3A_314 = arith.constant 0 : i32
            %dma_wait3A_315 = tpu.memref_slice %arg1[%dma_wait3A_314, %mul3A_306] <%multiple_of3A_304> : memref<64x1000000xf32, #tpu.memory_space<any>> -> memref<64x?xf32, #tpu.memory_space<any>>
            tpu.wait_dma2 semaphore(%dma_wait3A_309 : memref<!tpu.dma_semaphore, #tpu.memory_space<semaphore_mem>>) src(%dma_wait3A_315 : memref<64x?xf32, #tpu.memory_space<any>>) dst(%dma_wait3A_313 : memref<64x?xf32, #tpu.memory_space<vmem>>)
            "tpu.trace_stop"() : () -> ()
          } else {
          }
          %ne3A_210 = arith.cmpi ne, %add3A_149, %add3A_159 : i32
          %or3A_211 = arith.constant false
          %or3A_212 = arith.ori %or3A_211, %ne3A_210 : i1
          %or3A_213 = arith.constant false
          %or3A_214 = arith.ori %or3A_212, %or3A_213 : i1
          %or3A_215 = arith.ori %or3A_214, %eq3A_145 : i1
          %convert_element_type3A_216 = arith.extui %or3A_215 : i1 to i32
          %cond3A_217 = arith.constant 0 : i32
          %cond3A_218 = arith.cmpi ne, %convert_element_type3A_216, %cond3A_217 : i32
          scf.if %cond3A_218 {
          } else {
          }
          %rem3A_219 = arith.constant 2 : i32
          %rem3A_220 = arith.remui %while3A_138, %rem3A_219 : i32
          %rem3A_221 = arith.constant 2 : i32
          %rem3A_222 = arith.remui %while3A_139, %rem3A_221 : i32
          "tpu.trace_start"() <{level = 10 : i32, message = "ep_run_kernel"}> : () -> ()
          %get3A = arith.index_cast %rem3A_220 : i32 to index
          %get3A_223 = arith.constant 0 : index
          %get3A_224 = arith.constant 0 : index
          %get3A_225 = vector.load %run_scoped3A[%get3A, %get3A_223, %get3A_224] : memref<2x64x8192xf32, #tpu.memory_space<vmem>>, vector<1x64x8192xf32>
          %get3A_226 = vector.shape_cast %get3A_225 : vector<1x64x8192xf32> to vector<64x8192xf32>
          %transpose3A = tpu.transpose %get3A_226, [1, 0] : vector<64x8192xf32> -> vector<8192x64xf32>
          %swap3A = arith.constant 0 : i32
          %swap3A_227 = arith.constant 0 : i32
          %swap3A_228 = tpu.memref_slice %run_scoped3A_11[%rem3A_222, %swap3A, %swap3A_227] : memref<2x8192x128xf32, #tpu.memory_space<vmem>> -> memref<1x8192x128xf32, #tpu.memory_space<vmem>>
          %swap3A_229 = tpu.memref_squeeze %swap3A_228 : memref<1x8192x128xf32, #tpu.memory_space<vmem>> -> memref<8192x128xf32, #tpu.memory_space<vmem>>
          %swap3A_230 = arith.constant 0 : index
          %swap3A_231 = arith.constant 0 : index
          %swap3A_232 = vector.load %swap3A_229[%swap3A_230, %swap3A_231] : memref<8192x128xf32, #tpu.memory_space<vmem>>, vector<8192x64xf32>
          tpu.vector_store %swap3A_229[%swap3A_230, %swap3A_231], %transpose3A {strides = array<i32>} : memref<8192x128xf32, #tpu.memory_space<vmem>>, vector<8192x64xf32>,
          "tpu.trace_stop"() : () -> ()
          %ne3A_233 = arith.cmpi ne, %add3A_149, %add3A_167 : i32
          %or3A_234 = arith.constant false
          %or3A_235 = arith.ori %or3A_234, %ne3A_233 : i1
          %or3A_236 = arith.ori %or3A_235, %eq3A_148 : i1
          %convert_element_type3A_237 = arith.extui %or3A_236 : i1 to i32
          %cond3A_238 = arith.constant 0 : i32
          %cond3A_239 = arith.cmpi ne, %convert_element_type3A_237, %cond3A_238 : i32
          scf.if %cond3A_239 {
          } else {
          }
          %and3A_240 = arith.constant false
          %and3A_241 = arith.andi %or3A_236, %and3A_240 : i1
          %ne3A_242 = arith.cmpi ne, %add3A_149, %add3A_167 : i32
          %or3A_243 = arith.constant false
          %or3A_244 = arith.ori %or3A_243, %ne3A_242 : i1
          %or3A_245 = arith.constant false
          %or3A_246 = arith.ori %or3A_244, %or3A_245 : i1
          %or3A_247 = arith.ori %or3A_246, %eq3A_148 : i1
          %convert_element_type3A_248 = arith.extui %or3A_247 : i1 to i32
          %cond3A_249 = arith.constant 0 : i32
          %cond3A_250 = arith.cmpi ne, %convert_element_type3A_248, %cond3A_249 : i32
          scf.if %cond3A_250 {
            "tpu.trace_start"() <{level = 10 : i32, message = "ep_copy_out"}> : () -> ()
            %rem3A_297 = arith.constant 2 : i32
            %rem3A_298 = arith.remui %while3A_139, %rem3A_297 : i32
            %mul3A_299 = arith.constant 8192 : i32
            %mul3A_300 = arith.muli %mul3A_299, %add3A_149 : i32
            %eq3A_301 = arith.constant 122 : i32
            %eq3A_302 = arith.cmpi eq, %add3A_149, %eq3A_301 : i32
            %jit3A_303 = arith.constant 576 : i32
            %jit3A_304 = arith.constant 8192 : i32
            %select_n3A_305 = arith.select %eq3A_302, %jit3A_303, %jit3A_304 : i32
            %multiple_of3A_306 = tpu.assume_multiple %select_n3A_305, 8 : i32
            %mul3A_307 = arith.constant 8192 : i32
            %mul3A_308 = arith.muli %add3A_149, %mul3A_307 : i32
            %dma_start3A_309 = tpu.memref_slice %run_scoped3A_12[%rem3A_298] : memref<2x!tpu.dma_semaphore, #tpu.memory_space<semaphore_mem>> -> memref<1x!tpu.dma_semaphore, #tpu.memory_space<semaphore_mem>>
            %dma_start3A_310 = tpu.memref_squeeze %dma_start3A_309 : memref<1x!tpu.dma_semaphore, #tpu.memory_space<semaphore_mem>> -> memref<!tpu.dma_semaphore, #tpu.memory_space<semaphore_mem>>
            %dma_start3A_311 = arith.constant 0 : i32
            %dma_start3A_312 = tpu.memref_slice %arg2[%mul3A_308, %dma_start3A_311] <%multiple_of3A_306> : memref<1000000x128xf32, #tpu.memory_space<any>> -> memref<?x128xf32, #tpu.memory_space<any>>
            %dma_start3A_313 = arith.constant 0 : i32
            %dma_start3A_314 = arith.constant 0 : i32
            %dma_start3A_315 = tpu.memref_slice %run_scoped3A_11[%rem3A_298, %dma_start3A_313, %dma_start3A_314] <%multiple_of3A_306> : memref<2x8192x128xf32, #tpu.memory_space<vmem>> -> memref<1x?x128xf32, #tpu.memory_space<vmem>>
            %dma_start3A_316 = tpu.memref_squeeze %dma_start3A_315 : memref<1x?x128xf32, #tpu.memory_space<vmem>> -> memref<?x128xf32, #tpu.memory_space<vmem>>
            tpu.enqueue_dma source(%dma_start3A_316 : memref<?x128xf32, #tpu.memory_space<vmem>>) target(%dma_start3A_312 : memref<?x128xf32, #tpu.memory_space<any>>) target_semaphore(%dma_start3A_310 : memref<!tpu.dma_semaphore, #tpu.memory_space<semaphore_mem>>)
            "tpu.trace_stop"() : () -> ()
          } else {
          }
          %and3A_251 = arith.constant true
          %and3A_252 = arith.andi %or3A_247, %and3A_251 : i1
          %add3A_253 = arith.constant 1 : i32
          %add3A_254 = arith.addi %while3A_139, %add3A_253 : i32
          %select_n3A_255 = arith.select %and3A_252, %add3A_254, %while3A_139 : i32
          %ne3A_256 = arith.cmpi ne, %add3A_149, %add3A_159 : i32
          %or3A_257 = arith.constant false
          %or3A_258 = arith.ori %or3A_257, %ne3A_256 : i1
          %not3A_259 = arith.constant true
          %not3A_260 = arith.xori %eq3A_145, %not3A_259 : i1
          %and3A_261 = arith.andi %or3A_258, %not3A_260 : i1
          %convert_element_type3A_262 = arith.extui %and3A_261 : i1 to i32
          %cond3A_263 = arith.constant 0 : i32
          %cond3A_264 = arith.cmpi ne, %convert_element_type3A_262, %cond3A_263 : i32
          scf.if %cond3A_264 {
          } else {
          }
          %and3A_265 = arith.constant false
          %and3A_266 = arith.andi %and3A_261, %and3A_265 : i1
          %ne3A_267 = arith.cmpi ne, %add3A_149, %add3A_159 : i32
          %or3A_268 = arith.constant false
          %or3A_269 = arith.ori %or3A_268, %ne3A_267 : i1
          %or3A_270 = arith.constant false
          %or3A_271 = arith.ori %or3A_269, %or3A_270 : i1
          %not3A_272 = arith.constant true
          %not3A_273 = arith.xori %eq3A_145, %not3A_272 : i1
          %and3A_274 = arith.andi %or3A_271, %not3A_273 : i1
          %convert_element_type3A_275 = arith.extui %and3A_274 : i1 to i32
          %cond3A_276 = arith.constant 0 : i32
          %cond3A_277 = arith.cmpi ne, %convert_element_type3A_275, %cond3A_276 : i32
          scf.if %cond3A_277 {
            "tpu.trace_start"() <{level = 10 : i32, message = "ep_wait_out"}> : () -> ()
            %rem3A_297 = arith.constant 2 : i32
            %rem3A_298 = arith.remui %while3A_140, %rem3A_297 : i32
            %mul3A_299 = arith.constant 8192 : i32
            %mul3A_300 = arith.muli %mul3A_299, %add3A_159 : i32
            %eq3A_301 = arith.constant 122 : i32
            %eq3A_302 = arith.cmpi eq, %add3A_159, %eq3A_301 : i32
            %jit3A_303 = arith.constant 576 : i32
            %jit3A_304 = arith.constant 8192 : i32
            %select_n3A_305 = arith.select %eq3A_302, %jit3A_303, %jit3A_304 : i32
            %multiple_of3A_306 = tpu.assume_multiple %select_n3A_305, 8 : i32
            %mul3A_307 = arith.constant 8192 : i32
            %mul3A_308 = arith.muli %add3A_159, %mul3A_307 : i32
            %dma_wait3A = tpu.memref_slice %run_scoped3A_12[%rem3A_298] : memref<2x!tpu.dma_semaphore, #tpu.memory_space<semaphore_mem>> -> memref<1x!tpu.dma_semaphore, #tpu.memory_space<semaphore_mem>>
            %dma_wait3A_309 = tpu.memref_squeeze %dma_wait3A : memref<1x!tpu.dma_semaphore, #tpu.memory_space<semaphore_mem>> -> memref<!tpu.dma_semaphore, #tpu.memory_space<semaphore_mem>>
            %dma_wait3A_310 = arith.constant 0 : i32
            %dma_wait3A_311 = tpu.memref_slice %arg2[%mul3A_308, %dma_wait3A_310] <%multiple_of3A_306> : memref<1000000x128xf32, #tpu.memory_space<any>> -> memref<?x128xf32, #tpu.memory_space<any>>
            %dma_wait3A_312 = arith.constant 0 : i32
            %dma_wait3A_313 = arith.constant 0 : i32
            %dma_wait3A_314 = tpu.memref_slice %run_scoped3A_11[%rem3A_298, %dma_wait3A_312, %dma_wait3A_313] <%multiple_of3A_306> : memref<2x8192x128xf32, #tpu.memory_space<vmem>> -> memref<1x?x128xf32, #tpu.memory_space<vmem>>
            %dma_wait3A_315 = tpu.memref_squeeze %dma_wait3A_314 : memref<1x?x128xf32, #tpu.memory_space<vmem>> -> memref<?x128xf32, #tpu.memory_space<vmem>>
            tpu.wait_dma2 semaphore(%dma_wait3A_309 : memref<!tpu.dma_semaphore, #tpu.memory_space<semaphore_mem>>) src(%dma_wait3A_315 : memref<?x128xf32, #tpu.memory_space<vmem>>) dst(%dma_wait3A_311 : memref<?x128xf32, #tpu.memory_space<any>>)
            "tpu.trace_stop"() : () -> ()
          } else {
          }
          %and3A_278 = arith.constant true
          %and3A_279 = arith.andi %and3A_274, %and3A_278 : i1
          %add3A_280 = arith.constant 1 : i32
          %add3A_281 = arith.addi %while3A_140, %add3A_280 : i32
          %select_n3A_282 = arith.select %and3A_279, %add3A_281, %while3A_140 : i32
          %ne3A_283 = arith.cmpi ne, %add3A_149, %add3A_167 : i32
          %or3A_284 = arith.constant false
          %or3A_285 = arith.ori %or3A_284, %ne3A_283 : i1
          %or3A_286 = arith.ori %or3A_285, %eq3A_148 : i1
          %add3A_287 = arith.constant 1 : i32
          %add3A_288 = arith.addi %while3A_138, %add3A_287 : i32
          %select_n3A_289 = arith.select %or3A_286, %add3A_288, %while3A_138 : i32
          %add3A_290 = arith.constant 1 : i32
          %add3A_291 = arith.addi %while3A_141, %add3A_290 : i32
          %select_n3A_292 = arith.constant true
          %select_n3A_293 = arith.select %select_n3A_292, %add3A_291, %while3A_141 : i32
          %eq3A_294 = arith.cmpi eq, %select_n3A_293, %select_n3A : i32
          %select_n3A_295 = arith.constant 0 : i32
          %select_n3A_296 = arith.select %eq3A_294, %select_n3A_295, %select_n3A_293 : i32
          scf.yield %select_n3A_189, %select_n3A_289, %select_n3A_255, %select_n3A_282, %select_n3A_296 : i32, i32, i32, i32, i32
        }
        %while3A_83 = arith.constant 1 : i32
        %while3A_84:5 = scf.for %while3A_136 = %while3A_80 to %while3A_76 step %while3A_83 iter_args(%while3A_137 = %while3A_82#0, %while3A_138 = %while3A_82#1, %while3A_139 = %while3A_82#2, %while3A_140 = %while3A_82#3, %while3A_141 = %while3A_82#4) -> (i32, i32, i32, i32, i32)  : i32 {
          %mul3A_142 = arith.constant 1 : i32
          %mul3A_143 = arith.muli %mul3A_142, %select_n3A : i32
          %eq3A_144 = arith.constant 0 : i32
          %eq3A_145 = arith.cmpi eq, %while3A_136, %eq3A_144 : i32
          %sub3A_146 = arith.constant 1 : i32
          %sub3A_147 = arith.subi %mul3A_143, %sub3A_146 : i32
          %eq3A_148 = arith.cmpi eq, %while3A_136, %sub3A_147 : i32
          %add3A_149 = arith.addi %while3A_141, %select_n3A_7 : i32
          %sub3A_150 = arith.constant 1 : i32
          %sub3A_151 = arith.subi %while3A_141, %sub3A_150 : i32
          %select_n3A_152 = arith.constant true
          %select_n3A_153 = arith.select %select_n3A_152, %sub3A_151, %while3A_141 : i32
          %eq3A_154 = arith.constant -1 : i32
          %eq3A_155 = arith.cmpi eq, %select_n3A_153, %eq3A_154 : i32
          %sub3A_156 = arith.constant 1 : i32
          %sub3A_157 = arith.subi %select_n3A, %sub3A_156 : i32
          %select_n3A_158 = arith.select %eq3A_155, %sub3A_157, %select_n3A_153 : i32
          %add3A_159 = arith.addi %select_n3A_158, %select_n3A_7 : i32
          %add3A_160 = arith.constant 1 : i32
          %add3A_161 = arith.addi %while3A_141, %add3A_160 : i32
          %select_n3A_162 = arith.constant true
          %select_n3A_163 = arith.select %select_n3A_162, %add3A_161, %while3A_141 : i32
          %eq3A_164 = arith.cmpi eq, %select_n3A_163, %select_n3A : i32
          %select_n3A_165 = arith.constant 0 : i32
          %select_n3A_166 = arith.select %eq3A_164, %select_n3A_165, %select_n3A_163 : i32
          %add3A_167 = arith.addi %select_n3A_166, %select_n3A_7 : i32
          %add3A_168 = arith.constant 1 : i32
          %add3A_169 = arith.addi %select_n3A_166, %add3A_168 : i32
          %select_n3A_170 = arith.constant true
          %select_n3A_171 = arith.select %select_n3A_170, %add3A_169, %select_n3A_166 : i32
          %eq3A_172 = arith.cmpi eq, %select_n3A_171, %select_n3A : i32
          %select_n3A_173 = arith.constant 0 : i32
          %select_n3A_174 = arith.select %eq3A_172, %select_n3A_173, %select_n3A_171 : i32
          %add3A_175 = arith.addi %select_n3A_174, %select_n3A_7 : i32
          %ne3A = arith.cmpi ne, %add3A_149, %add3A_167 : i32
          %or3A = arith.constant false
          %or3A_176 = arith.ori %or3A, %ne3A : i1
          %sub3A_177 = arith.constant 2 : i32
          %sub3A_178 = arith.subi %mul3A_143, %sub3A_177 : i32
          %add3A_179 = arith.constant 1 : i32
          %add3A_180 = arith.addi %sub3A_178, %add3A_179 : i32
          %ge3A = arith.cmpi sge, %while3A_136, %add3A_180 : i32
          %not3A = arith.constant true
          %not3A_181 = arith.xori %ge3A, %not3A : i1
          %and3A = arith.andi %or3A_176, %not3A_181 : i1
          %convert_element_type3A_182 = arith.extui %and3A : i1 to i32
          %cond3A_183 = arith.constant 0 : i32
          %cond3A_184 = arith.cmpi ne, %convert_element_type3A_182, %cond3A_183 : i32
          scf.if %cond3A_184 {
            "tpu.trace_start"() <{level = 10 : i32, message = "ep_copy_in"}> : () -> ()
            %rem3A_297 = arith.constant 2 : i32
            %rem3A_298 = arith.remui %while3A_137, %rem3A_297 : i32
            %mul3A_299 = arith.constant 8192 : i32
            %mul3A_300 = arith.muli %mul3A_299, %add3A_167 : i32
            %eq3A_301 = arith.constant 122 : i32
            %eq3A_302 = arith.cmpi eq, %add3A_167, %eq3A_301 : i32
            %jit3A_303 = arith.constant 640 : i32
            %jit3A_304 = arith.constant 8192 : i32
            %select_n3A_305 = arith.select %eq3A_302, %jit3A_303, %jit3A_304 : i32
            %multiple_of3A_306 = tpu.assume_multiple %select_n3A_305, 128 : i32
            %mul3A_307 = arith.constant 8192 : i32
            %mul3A_308 = arith.muli %add3A_167, %mul3A_307 : i32
            %dma_start3A_309 = tpu.memref_slice %run_scoped3A_10[%rem3A_298] : memref<2x!tpu.dma_semaphore, #tpu.memory_space<semaphore_mem>> -> memref<1x!tpu.dma_semaphore, #tpu.memory_space<semaphore_mem>>
            %dma_start3A_310 = tpu.memref_squeeze %dma_start3A_309 : memref<1x!tpu.dma_semaphore, #tpu.memory_space<semaphore_mem>> -> memref<!tpu.dma_semaphore, #tpu.memory_space<semaphore_mem>>
            %dma_start3A_311 = arith.constant 0 : i32
            %dma_start3A_312 = arith.constant 0 : i32
            %dma_start3A_313 = tpu.memref_slice %run_scoped3A[%rem3A_298, %dma_start3A_311, %dma_start3A_312] <%multiple_of3A_306> : memref<2x64x8192xf32, #tpu.memory_space<vmem>> -> memref<1x64x?xf32, #tpu.memory_space<vmem>>
            %dma_start3A_314 = tpu.memref_squeeze %dma_start3A_313 : memref<1x64x?xf32, #tpu.memory_space<vmem>> -> memref<64x?xf32, #tpu.memory_space<vmem>>
            %dma_start3A_315 = arith.constant 0 : i32
            %dma_start3A_316 = tpu.memref_slice %arg1[%dma_start3A_315, %mul3A_308] <%multiple_of3A_306> : memref<64x1000000xf32, #tpu.memory_space<any>> -> memref<64x?xf32, #tpu.memory_space<any>>
            tpu.enqueue_dma source(%dma_start3A_316 : memref<64x?xf32, #tpu.memory_space<any>>) target(%dma_start3A_314 : memref<64x?xf32, #tpu.memory_space<vmem>>) target_semaphore(%dma_start3A_310 : memref<!tpu.dma_semaphore, #tpu.memory_space<semaphore_mem>>)
            "tpu.trace_stop"() : () -> ()
          } else {
          }
          %and3A_185 = arith.constant true
          %and3A_186 = arith.andi %and3A, %and3A_185 : i1
          %add3A_187 = arith.constant 1 : i32
          %add3A_188 = arith.addi %while3A_137, %add3A_187 : i32
          %select_n3A_189 = arith.select %and3A_186, %add3A_188, %while3A_137 : i32
          %ne3A_190 = arith.cmpi ne, %add3A_149, %add3A_167 : i32
          %or3A_191 = arith.constant false
          %or3A_192 = arith.ori %or3A_191, %ne3A_190 : i1
          %or3A_193 = arith.constant false
          %or3A_194 = arith.ori %or3A_192, %or3A_193 : i1
          %sub3A_195 = arith.constant 2 : i32
          %sub3A_196 = arith.subi %mul3A_143, %sub3A_195 : i32
          %add3A_197 = arith.constant 1 : i32
          %add3A_198 = arith.addi %sub3A_196, %add3A_197 : i32
          %ge3A_199 = arith.cmpi sge, %while3A_136, %add3A_198 : i32
          %not3A_200 = arith.constant true
          %not3A_201 = arith.xori %ge3A_199, %not3A_200 : i1
          %and3A_202 = arith.andi %or3A_194, %not3A_201 : i1
          %ne3A_203 = arith.cmpi ne, %add3A_149, %add3A_159 : i32
          %or3A_204 = arith.constant false
          %or3A_205 = arith.ori %or3A_204, %ne3A_203 : i1
          %or3A_206 = arith.ori %or3A_205, %eq3A_145 : i1
          %convert_element_type3A_207 = arith.extui %or3A_206 : i1 to i32
          %cond3A_208 = arith.constant 0 : i32
          %cond3A_209 = arith.cmpi ne, %convert_element_type3A_207, %cond3A_208 : i32
          scf.if %cond3A_209 {
            "tpu.trace_start"() <{level = 10 : i32, message = "ep_wait_in"}> : () -> ()
            %mul3A_297 = arith.constant 8192 : i32
            %mul3A_298 = arith.muli %mul3A_297, %add3A_149 : i32
            %eq3A_299 = arith.constant 122 : i32
            %eq3A_300 = arith.cmpi eq, %add3A_149, %eq3A_299 : i32
            %jit3A_301 = arith.constant 640 : i32
            %jit3A_302 = arith.constant 8192 : i32
            %select_n3A_303 = arith.select %eq3A_300, %jit3A_301, %jit3A_302 : i32
            %multiple_of3A_304 = tpu.assume_multiple %select_n3A_303, 128 : i32
            %mul3A_305 = arith.constant 8192 : i32
            %mul3A_306 = arith.muli %add3A_149, %mul3A_305 : i32
            %rem3A_307 = arith.constant 2 : i32
            %rem3A_308 = arith.remui %while3A_138, %rem3A_307 : i32
            %dma_wait3A = tpu.memref_slice %run_scoped3A_10[%rem3A_308] : memref<2x!tpu.dma_semaphore, #tpu.memory_space<semaphore_mem>> -> memref<1x!tpu.dma_semaphore, #tpu.memory_space<semaphore_mem>>
            %dma_wait3A_309 = tpu.memref_squeeze %dma_wait3A : memref<1x!tpu.dma_semaphore, #tpu.memory_space<semaphore_mem>> -> memref<!tpu.dma_semaphore, #tpu.memory_space<semaphore_mem>>
            %dma_wait3A_310 = arith.constant 0 : i32
            %dma_wait3A_311 = arith.constant 0 : i32
            %dma_wait3A_312 = tpu.memref_slice %run_scoped3A[%rem3A_308, %dma_wait3A_310, %dma_wait3A_311] <%multiple_of3A_304> : memref<2x64x8192xf32, #tpu.memory_space<vmem>> -> memref<1x64x?xf32, #tpu.memory_space<vmem>>
            %dma_wait3A_313 = tpu.memref_squeeze %dma_wait3A_312 : memref<1x64x?xf32, #tpu.memory_space<vmem>> -> memref<64x?xf32, #tpu.memory_space<vmem>>
            %dma_wait3A_314 = arith.constant 0 : i32
            %dma_wait3A_315 = tpu.memref_slice %arg1[%dma_wait3A_314, %mul3A_306] <%multiple_of3A_304> : memref<64x1000000xf32, #tpu.memory_space<any>> -> memref<64x?xf32, #tpu.memory_space<any>>
            tpu.wait_dma2 semaphore(%dma_wait3A_309 : memref<!tpu.dma_semaphore, #tpu.memory_space<semaphore_mem>>) src(%dma_wait3A_315 : memref<64x?xf32, #tpu.memory_space<any>>) dst(%dma_wait3A_313 : memref<64x?xf32, #tpu.memory_space<vmem>>)
            "tpu.trace_stop"() : () -> ()
          } else {
          }
          %ne3A_210 = arith.cmpi ne, %add3A_149, %add3A_159 : i32
          %or3A_211 = arith.constant false
          %or3A_212 = arith.ori %or3A_211, %ne3A_210 : i1
          %or3A_213 = arith.constant false
          %or3A_214 = arith.ori %or3A_212, %or3A_213 : i1
          %or3A_215 = arith.ori %or3A_214, %eq3A_145 : i1
          %convert_element_type3A_216 = arith.extui %or3A_215 : i1 to i32
          %cond3A_217 = arith.constant 0 : i32
          %cond3A_218 = arith.cmpi ne, %convert_element_type3A_216, %cond3A_217 : i32
          scf.if %cond3A_218 {
          } else {
          }
          %rem3A_219 = arith.constant 2 : i32
          %rem3A_220 = arith.remui %while3A_138, %rem3A_219 : i32
          %rem3A_221 = arith.constant 2 : i32
          %rem3A_222 = arith.remui %while3A_139, %rem3A_221 : i32
          "tpu.trace_start"() <{level = 10 : i32, message = "ep_run_kernel"}> : () -> ()
          %get3A = arith.index_cast %rem3A_220 : i32 to index
          %get3A_223 = arith.constant 0 : index
          %get3A_224 = arith.constant 0 : index
          %get3A_225 = vector.load %run_scoped3A[%get3A, %get3A_223, %get3A_224] : memref<2x64x8192xf32, #tpu.memory_space<vmem>>, vector<1x64x8192xf32>
          %get3A_226 = vector.shape_cast %get3A_225 : vector<1x64x8192xf32> to vector<64x8192xf32>
          %transpose3A = tpu.transpose %get3A_226, [1, 0] : vector<64x8192xf32> -> vector<8192x64xf32>
          %swap3A = arith.constant 0 : i32
          %swap3A_227 = arith.constant 0 : i32
          %swap3A_228 = tpu.memref_slice %run_scoped3A_11[%rem3A_222, %swap3A, %swap3A_227] : memref<2x8192x128xf32, #tpu.memory_space<vmem>> -> memref<1x8192x128xf32, #tpu.memory_space<vmem>>
          %swap3A_229 = tpu.memref_squeeze %swap3A_228 : memref<1x8192x128xf32, #tpu.memory_space<vmem>> -> memref<8192x128xf32, #tpu.memory_space<vmem>>
          %swap3A_230 = arith.constant 0 : index
          %swap3A_231 = arith.constant 0 : index
          %swap3A_232 = vector.load %swap3A_229[%swap3A_230, %swap3A_231] : memref<8192x128xf32, #tpu.memory_space<vmem>>, vector<8192x64xf32>
          tpu.vector_store %swap3A_229[%swap3A_230, %swap3A_231], %transpose3A {strides = array<i32>} : memref<8192x128xf32, #tpu.memory_space<vmem>>, vector<8192x64xf32>,
          "tpu.trace_stop"() : () -> ()
          %ne3A_233 = arith.cmpi ne, %add3A_149, %add3A_167 : i32
          %or3A_234 = arith.constant false
          %or3A_235 = arith.ori %or3A_234, %ne3A_233 : i1
          %or3A_236 = arith.ori %or3A_235, %eq3A_148 : i1
          %convert_element_type3A_237 = arith.extui %or3A_236 : i1 to i32
          %cond3A_238 = arith.constant 0 : i32
          %cond3A_239 = arith.cmpi ne, %convert_element_type3A_237, %cond3A_238 : i32
          scf.if %cond3A_239 {
          } else {
          }
          %and3A_240 = arith.constant false
          %and3A_241 = arith.andi %or3A_236, %and3A_240 : i1
          %ne3A_242 = arith.cmpi ne, %add3A_149, %add3A_167 : i32
          %or3A_243 = arith.constant false
          %or3A_244 = arith.ori %or3A_243, %ne3A_242 : i1
          %or3A_245 = arith.constant false
          %or3A_246 = arith.ori %or3A_244, %or3A_245 : i1
          %or3A_247 = arith.ori %or3A_246, %eq3A_148 : i1
          %convert_element_type3A_248 = arith.extui %or3A_247 : i1 to i32
          %cond3A_249 = arith.constant 0 : i32
          %cond3A_250 = arith.cmpi ne, %convert_element_type3A_248, %cond3A_249 : i32
          scf.if %cond3A_250 {
            "tpu.trace_start"() <{level = 10 : i32, message = "ep_copy_out"}> : () -> ()
            %rem3A_297 = arith.constant 2 : i32
            %rem3A_298 = arith.remui %while3A_139, %rem3A_297 : i32
            %mul3A_299 = arith.constant 8192 : i32
            %mul3A_300 = arith.muli %mul3A_299, %add3A_149 : i32
            %eq3A_301 = arith.constant 122 : i32
            %eq3A_302 = arith.cmpi eq, %add3A_149, %eq3A_301 : i32
            %jit3A_303 = arith.constant 576 : i32
            %jit3A_304 = arith.constant 8192 : i32
            %select_n3A_305 = arith.select %eq3A_302, %jit3A_303, %jit3A_304 : i32
            %multiple_of3A_306 = tpu.assume_multiple %select_n3A_305, 8 : i32
            %mul3A_307 = arith.constant 8192 : i32
            %mul3A_308 = arith.muli %add3A_149, %mul3A_307 : i32
            %dma_start3A_309 = tpu.memref_slice %run_scoped3A_12[%rem3A_298] : memref<2x!tpu.dma_semaphore, #tpu.memory_space<semaphore_mem>> -> memref<1x!tpu.dma_semaphore, #tpu.memory_space<semaphore_mem>>
            %dma_start3A_310 = tpu.memref_squeeze %dma_start3A_309 : memref<1x!tpu.dma_semaphore, #tpu.memory_space<semaphore_mem>> -> memref<!tpu.dma_semaphore, #tpu.memory_space<semaphore_mem>>
            %dma_start3A_311 = arith.constant 0 : i32
            %dma_start3A_312 = tpu.memref_slice %arg2[%mul3A_308, %dma_start3A_311] <%multiple_of3A_306> : memref<1000000x128xf32, #tpu.memory_space<any>> -> memref<?x128xf32, #tpu.memory_space<any>>
            %dma_start3A_313 = arith.constant 0 : i32
            %dma_start3A_314 = arith.constant 0 : i32
            %dma_start3A_315 = tpu.memref_slice %run_scoped3A_11[%rem3A_298, %dma_start3A_313, %dma_start3A_314] <%multiple_of3A_306> : memref<2x8192x128xf32, #tpu.memory_space<vmem>> -> memref<1x?x128xf32, #tpu.memory_space<vmem>>
            %dma_start3A_316 = tpu.memref_squeeze %dma_start3A_315 : memref<1x?x128xf32, #tpu.memory_space<vmem>> -> memref<?x128xf32, #tpu.memory_space<vmem>>
            tpu.enqueue_dma source(%dma_start3A_316 : memref<?x128xf32, #tpu.memory_space<vmem>>) target(%dma_start3A_312 : memref<?x128xf32, #tpu.memory_space<any>>) target_semaphore(%dma_start3A_310 : memref<!tpu.dma_semaphore, #tpu.memory_space<semaphore_mem>>)
            "tpu.trace_stop"() : () -> ()
          } else {
          }
          %and3A_251 = arith.constant true
          %and3A_252 = arith.andi %or3A_247, %and3A_251 : i1
          %add3A_253 = arith.constant 1 : i32
          %add3A_254 = arith.addi %while3A_139, %add3A_253 : i32
          %select_n3A_255 = arith.select %and3A_252, %add3A_254, %while3A_139 : i32
          %ne3A_256 = arith.cmpi ne, %add3A_149, %add3A_159 : i32
          %or3A_257 = arith.constant false
          %or3A_258 = arith.ori %or3A_257, %ne3A_256 : i1
          %not3A_259 = arith.constant true
          %not3A_260 = arith.xori %eq3A_145, %not3A_259 : i1
          %and3A_261 = arith.andi %or3A_258, %not3A_260 : i1
          %convert_element_type3A_262 = arith.extui %and3A_261 : i1 to i32
          %cond3A_263 = arith.constant 0 : i32
          %cond3A_264 = arith.cmpi ne, %convert_element_type3A_262, %cond3A_263 : i32
          scf.if %cond3A_264 {
          } else {
          }
          %and3A_265 = arith.constant false
          %and3A_266 = arith.andi %and3A_261, %and3A_265 : i1
          %ne3A_267 = arith.cmpi ne, %add3A_149, %add3A_159 : i32
          %or3A_268 = arith.constant false
          %or3A_269 = arith.ori %or3A_268, %ne3A_267 : i1
          %or3A_270 = arith.constant false
          %or3A_271 = arith.ori %or3A_269, %or3A_270 : i1
          %not3A_272 = arith.constant true
          %not3A_273 = arith.xori %eq3A_145, %not3A_272 : i1
          %and3A_274 = arith.andi %or3A_271, %not3A_273 : i1
          %convert_element_type3A_275 = arith.extui %and3A_274 : i1 to i32
          %cond3A_276 = arith.constant 0 : i32
          %cond3A_277 = arith.cmpi ne, %convert_element_type3A_275, %cond3A_276 : i32
          scf.if %cond3A_277 {
            "tpu.trace_start"() <{level = 10 : i32, message = "ep_wait_out"}> : () -> ()
            %rem3A_297 = arith.constant 2 : i32
            %rem3A_298 = arith.remui %while3A_140, %rem3A_297 : i32
            %mul3A_299 = arith.constant 8192 : i32
            %mul3A_300 = arith.muli %mul3A_299, %add3A_159 : i32
            %eq3A_301 = arith.constant 122 : i32
            %eq3A_302 = arith.cmpi eq, %add3A_159, %eq3A_301 : i32
            %jit3A_303 = arith.constant 576 : i32
            %jit3A_304 = arith.constant 8192 : i32
            %select_n3A_305 = arith.select %eq3A_302, %jit3A_303, %jit3A_304 : i32
            %multiple_of3A_306 = tpu.assume_multiple %select_n3A_305, 8 : i32
            %mul3A_307 = arith.constant 8192 : i32
            %mul3A_308 = arith.muli %add3A_159, %mul3A_307 : i32
            %dma_wait3A = tpu.memref_slice %run_scoped3A_12[%rem3A_298] : memref<2x!tpu.dma_semaphore, #tpu.memory_space<semaphore_mem>> -> memref<1x!tpu.dma_semaphore, #tpu.memory_space<semaphore_mem>>
            %dma_wait3A_309 = tpu.memref_squeeze %dma_wait3A : memref<1x!tpu.dma_semaphore, #tpu.memory_space<semaphore_mem>> -> memref<!tpu.dma_semaphore, #tpu.memory_space<semaphore_mem>>
            %dma_wait3A_310 = arith.constant 0 : i32
            %dma_wait3A_311 = tpu.memref_slice %arg2[%mul3A_308, %dma_wait3A_310] <%multiple_of3A_306> : memref<1000000x128xf32, #tpu.memory_space<any>> -> memref<?x128xf32, #tpu.memory_space<any>>
            %dma_wait3A_312 = arith.constant 0 : i32
            %dma_wait3A_313 = arith.constant 0 : i32
            %dma_wait3A_314 = tpu.memref_slice %run_scoped3A_11[%rem3A_298, %dma_wait3A_312, %dma_wait3A_313] <%multiple_of3A_306> : memref<2x8192x128xf32, #tpu.memory_space<vmem>> -> memref<1x?x128xf32, #tpu.memory_space<vmem>>
            %dma_wait3A_315 = tpu.memref_squeeze %dma_wait3A_314 : memref<1x?x128xf32, #tpu.memory_space<vmem>> -> memref<?x128xf32, #tpu.memory_space<vmem>>
            tpu.wait_dma2 semaphore(%dma_wait3A_309 : memref<!tpu.dma_semaphore, #tpu.memory_space<semaphore_mem>>) src(%dma_wait3A_315 : memref<?x128xf32, #tpu.memory_space<vmem>>) dst(%dma_wait3A_311 : memref<?x128xf32, #tpu.memory_space<any>>)
            "tpu.trace_stop"() : () -> ()
          } else {
          }
          %and3A_278 = arith.constant true
          %and3A_279 = arith.andi %and3A_274, %and3A_278 : i1
          %add3A_280 = arith.constant 1 : i32
          %add3A_281 = arith.addi %while3A_140, %add3A_280 : i32
          %select_n3A_282 = arith.select %and3A_279, %add3A_281, %while3A_140 : i32
          %ne3A_283 = arith.cmpi ne, %add3A_149, %add3A_167 : i32
          %or3A_284 = arith.constant false
          %or3A_285 = arith.ori %or3A_284, %ne3A_283 : i1
          %or3A_286 = arith.ori %or3A_285, %eq3A_148 : i1
          %add3A_287 = arith.constant 1 : i32
          %add3A_288 = arith.addi %while3A_138, %add3A_287 : i32
          %select_n3A_289 = arith.select %or3A_286, %add3A_288, %while3A_138 : i32
          %add3A_290 = arith.constant 1 : i32
          %add3A_291 = arith.addi %while3A_141, %add3A_290 : i32
          %select_n3A_292 = arith.constant true
          %select_n3A_293 = arith.select %select_n3A_292, %add3A_291, %while3A_141 : i32
          %eq3A_294 = arith.cmpi eq, %select_n3A_293, %select_n3A : i32
          %select_n3A_295 = arith.constant 0 : i32
          %select_n3A_296 = arith.select %eq3A_294, %select_n3A_295, %select_n3A_293 : i32
          scf.yield %select_n3A_189, %select_n3A_289, %select_n3A_255, %select_n3A_282, %select_n3A_296 : i32, i32, i32, i32, i32
        }
        %sub3A_85 = arith.constant 1 : i32
        %sub3A_86 = arith.subi %while3A_84#4, %sub3A_85 : i32
        %select_n3A_87 = arith.constant true
        %select_n3A_88 = arith.select %select_n3A_87, %sub3A_86, %while3A_84#4 : i32
        %eq3A_89 = arith.constant -1 : i32
        %eq3A_90 = arith.cmpi eq, %select_n3A_88, %eq3A_89 : i32
        %sub3A_91 = arith.constant 1 : i32
        %sub3A_92 = arith.subi %select_n3A, %sub3A_91 : i32
        %select_n3A_93 = arith.select %eq3A_90, %sub3A_92, %select_n3A_88 : i32
        %sub3A_94 = arith.constant 1 : i32
        %sub3A_95 = arith.subi %mul3A_9, %sub3A_94 : i32
        %mul3A_96 = arith.constant 1 : i32
        %mul3A_97 = arith.muli %mul3A_96, %select_n3A : i32
        %eq3A_98 = arith.constant 0 : i32
        %eq3A_99 = arith.cmpi eq, %sub3A_95, %eq3A_98 : i32
        %sub3A_100 = arith.constant 1 : i32
        %sub3A_101 = arith.subi %mul3A_97, %sub3A_100 : i32
        %eq3A_102 = arith.cmpi eq, %sub3A_95, %sub3A_101 : i32
        %add3A_103 = arith.addi %select_n3A_93, %select_n3A_7 : i32
        %sub3A_104 = arith.constant 1 : i32
        %sub3A_105 = arith.subi %select_n3A_93, %sub3A_104 : i32
        %select_n3A_106 = arith.constant true
        %select_n3A_107 = arith.select %select_n3A_106, %sub3A_105, %select_n3A_93 : i32
        %eq3A_108 = arith.constant -1 : i32
        %eq3A_109 = arith.cmpi eq, %select_n3A_107, %eq3A_108 : i32
        %sub3A_110 = arith.constant 1 : i32
        %sub3A_111 = arith.subi %select_n3A, %sub3A_110 : i32
        %select_n3A_112 = arith.select %eq3A_109, %sub3A_111, %select_n3A_107 : i32
        %add3A_113 = arith.addi %select_n3A_112, %select_n3A_7 : i32
        %add3A_114 = arith.constant 1 : i32
        %add3A_115 = arith.addi %select_n3A_93, %add3A_114 : i32
        %select_n3A_116 = arith.constant true
        %select_n3A_117 = arith.select %select_n3A_116, %add3A_115, %select_n3A_93 : i32
        %eq3A_118 = arith.cmpi eq, %select_n3A_117, %select_n3A : i32
        %select_n3A_119 = arith.constant 0 : i32
        %select_n3A_120 = arith.select %eq3A_118, %select_n3A_119, %select_n3A_117 : i32
        %add3A_121 = arith.addi %select_n3A_120, %select_n3A_7 : i32
        %add3A_122 = arith.constant 1 : i32
        %add3A_123 = arith.addi %select_n3A_120, %add3A_122 : i32
        %select_n3A_124 = arith.constant true
        %select_n3A_125 = arith.select %select_n3A_124, %add3A_123, %select_n3A_120 : i32
        %eq3A_126 = arith.cmpi eq, %select_n3A_125, %select_n3A : i32
        %select_n3A_127 = arith.constant 0 : i32
        %select_n3A_128 = arith.select %eq3A_126, %select_n3A_127, %select_n3A_125 : i32
        %add3A_129 = arith.addi %select_n3A_128, %select_n3A_7 : i32
        %convert_element_type3A_130 = arith.extui %eq3A_102 : i1 to i32
        %cond3A_131 = arith.constant 0 : i32
        %cond3A_132 = arith.cmpi ne, %convert_element_type3A_130, %cond3A_131 : i32
        scf.if %cond3A_132 {
        } else {
        }
        %convert_element_type3A_133 = arith.extui %eq3A_102 : i1 to i32
        %cond3A_134 = arith.constant 0 : i32
        %cond3A_135 = arith.cmpi ne, %convert_element_type3A_133, %cond3A_134 : i32
        scf.if %cond3A_135 {
          "tpu.trace_start"() <{level = 10 : i32, message = "ep_finalize"}> : () -> ()
          %rem3A_136 = arith.constant 2 : i32
          %rem3A_137 = arith.remui %while3A_84#3, %rem3A_136 : i32
          %mul3A_138 = arith.constant 8192 : i32
          %mul3A_139 = arith.muli %mul3A_138, %add3A_103 : i32
          %eq3A_140 = arith.constant 122 : i32
          %eq3A_141 = arith.cmpi eq, %add3A_103, %eq3A_140 : i32
          %jit3A_142 = arith.constant 576 : i32
          %jit3A_143 = arith.constant 8192 : i32
          %select_n3A_144 = arith.select %eq3A_141, %jit3A_142, %jit3A_143 : i32
          %multiple_of3A_145 = tpu.assume_multiple %select_n3A_144, 8 : i32
          %mul3A_146 = arith.constant 8192 : i32
          %mul3A_147 = arith.muli %add3A_103, %mul3A_146 : i32
          %dma_wait3A = tpu.memref_slice %run_scoped3A_12[%rem3A_137] : memref<2x!tpu.dma_semaphore, #tpu.memory_space<semaphore_mem>> -> memref<1x!tpu.dma_semaphore, #tpu.memory_space<semaphore_mem>>
          %dma_wait3A_148 = tpu.memref_squeeze %dma_wait3A : memref<1x!tpu.dma_semaphore, #tpu.memory_space<semaphore_mem>> -> memref<!tpu.dma_semaphore, #tpu.memory_space<semaphore_mem>>
          %dma_wait3A_149 = arith.constant 0 : i32
          %dma_wait3A_150 = tpu.memref_slice %arg2[%mul3A_147, %dma_wait3A_149] <%multiple_of3A_145> : memref<1000000x128xf32, #tpu.memory_space<any>> -> memref<?x128xf32, #tpu.memory_space<any>>
          %dma_wait3A_151 = arith.constant 0 : i32
          %dma_wait3A_152 = arith.constant 0 : i32
          %dma_wait3A_153 = tpu.memref_slice %run_scoped3A_11[%rem3A_137, %dma_wait3A_151, %dma_wait3A_152] <%multiple_of3A_145> : memref<2x8192x128xf32, #tpu.memory_space<vmem>> -> memref<1x?x128xf32, #tpu.memory_space<vmem>>
          %dma_wait3A_154 = tpu.memref_squeeze %dma_wait3A_153 : memref<1x?x128xf32, #tpu.memory_space<vmem>> -> memref<?x128xf32, #tpu.memory_space<vmem>>
          tpu.wait_dma2 semaphore(%dma_wait3A_148 : memref<!tpu.dma_semaphore, #tpu.memory_space<semaphore_mem>>) src(%dma_wait3A_154 : memref<?x128xf32, #tpu.memory_space<vmem>>) dst(%dma_wait3A_150 : memref<?x128xf32, #tpu.memory_space<any>>)
          "tpu.trace_stop"() : () -> ()
        } else {
        }
      } else {
      }
      tpu.yield
    }) : () -> ()
    return
  }
}

</mosaic_0001>

<sc_bundles>
// kernel: kernel.4.cloned.1.call-start
scs
__scs_entry_jumppad:
0x0: {  	(pc) =	sbr.rel $0x88, $3  }
0x1: {  	(tag) =	ssettag $0x0;
	lr =	simm.s32 $0x1  }
0x2: {  	[smem:$0x3F9F] =	sst lr;
	_ =	strace $0xD0000000  }
0x3: {  	_ = 	snop  }
0x4: {  	_ = 	snop  }
0x5: {  	_ = 	snop  }
0x6: {  	_ = 	snop  }
0x7: {  	_ = 	snop  }
__scs_overlays_trampoline_lowered:
0x8: {  	[smem:$0x3FAE] =	sst s0  }
0x9: {  	[smem:$0x3FAF] =	sst s1  }
0xa: {  	[smem:$0x3FB0] =	sst s2  }
0xb: {  	[smem:$0x3FB1] =	sst s3  }
0xc: {  	[smem:$0x3FB2] =	sst s4  }
0xd: {  	[smem:$0x3FB3] =	sst s5  }
0xe: {  	[smem:$0x3FB4] =	sst s6  }
0xf: {  	[smem:$0x3FB5] =	sst s7  }
0x10: {  	[smem:$0x3FB6] =	sst s8  }
0x11: {  	[smem:$0x3FB7] =	sst s9;
	s0 =	simm.s32 @!p0 $0x0  }
0x12: {  	s1 =	sld [smem:$0x3F9D];
	s0 =	simm.s32 @p0 $0x1  }
0x13: {  	[smem:$0x3FB8] =	sst s0;
	s0 =	simm.s32 @!p1 $0x0  }
0x14: {  	s2 =	sld [smem:$0x3F9C];
	s0 =	simm.s32 @p1 $0x1  }
0x15: {  	[smem:$0x3FB9] =	sst s0;
	s0 =	simm.s32 @!p2 $0x0  }
0x16: {  	s3 =	sld [smem:$0x3FDB];
	s0 =	simm.s32 @p2 $0x1  }
0x17: {  	s4 =	simm.s32 $0x1BF5;
	[smem:$0x3FBB] =	sst s0  }
0x18: {  	s0 =	sld [smem:$0x3F9E];
	_ =	swait.ge [sflag:s4], $0x0  }
0x19: {  	s7 =	sld [smem:$0x3F9F]  }
0x1a: {  	s8 =	sadd.s32 $0xFFFFE003, lr  }
0x1b: {  	s9 =	sadd.s32 $0xFFFFFEF7, lr;
	s5 =	simm.s32 $0xFFFFFFFF;
	p2 =	slt.u32 s8, $0xFFFFF086  }
0x1c: {  	p1 =	slt.u32 s9, $0xF7A;
	s5 =	simm.s32 @!p2 $0x0  }
0x1d: {  	s5 =	simm.s32 @p1 $0x1;
	p0 =	seq.s32 s7, s2  }
0x1e: {  	s7 =	smul.u32 @!p0 $0xF7A, s2;
	p2 =	seq.s32 @!p0 s5, $0x0  }
0x1f: {  	s9 =	smul.u32 $0xF7A, s1;
	s8 =	simm.s32 @!p0 $0x1BF5;
	p2 =	por !p2, p0  }
0x20: {  	[sflag:s8] =	ssyncset.s32 @!p0 $0xFFFFF086;
	s6 =	sadd.s32 @!p0 s3, s7;
	s7 =	simm.s32 @!p0 $0x108  }
0x21: {  	s3 =	sadd.s32 s3, s9;
	s6 =	sadd.s32 @!p0 $0x88, s6;
	s7 =	simm.s32 @p2 $0x1082  }
0x22: {  	[simem:s7], [sflag:s8] =	dma.local @!p0 [hbm:s6], $0xF7A  }
0x23: {  	s9 =	sor.u32 $0xD0000000, s2;
	s6 =	simm.s32 $0x108;
	_ =	swait.ge @!p0 [sflag:s8], $0x0  }
0x24: {  	s3 =	sadd.s32 $0x88, s3;
	s6 =	simm.s32 @!p1 $0x1082;
	[sflag:s4] =	ssyncset.s32 $0xFFFFF086  }
0x25: {  	[simem:s6], [sflag:s4] =	dma.local [hbm:s3], $0xF7A  }
0x26: {  	[smem:$0x3F9F] =	sst s1;
	(tag) =	ssettag s2;
	_ =	strace s9  }
0x27: {  	s1 =	sld [smem:$0x3FAF]  }
0x28: {  	s2 =	sld [smem:$0x3FB0]  }
0x29: {  	s4 =	sld [smem:$0x3FB2]  }
0x2a: {  	p0 =	seq.s32 s5, $0x0;
	s5 =	sld [smem:$0x3FB3]  }
0x2b: {  	s6 =	sld [smem:$0x3FB4]  }
0x2c: {  	s7 =	sld [smem:$0x3FB5]  }
0x2d: {  	s3 =	simm.s32 $0x108;
	s8 =	sld [smem:$0x3FB6]  }
0x2e: {  	s3 =	simm.s32 @!p0 $0x1082;
	s9 =	sld [smem:$0x3FB7]  }
0x2f: {  	lr =	sadd.s32 s0, s3;
	s0 =	sld [smem:$0x3FAE]  }
0x30: {  	s3 =	sld [smem:$0x3FB1]  }
0x31: {  	[smem:$0x3FBA] =	sst s10  }
0x32: {  	s10 =	sld [smem:$0x3FB8];
	_ =	sdelay $0x3  }
0x33: {  	p0 =	seq.s32 s10, $0x1;
	s10 =	sld [smem:$0x3FBA];
	_ =	sdelay $0x3  }
0x34: {  	[smem:$0x3FBA] =	sst s10  }
0x35: {  	s10 =	sld [smem:$0x3FB9];
	_ =	sdelay $0x3  }
0x36: {  	p1 =	seq.s32 s10, $0x1;
	s10 =	sld [smem:$0x3FBA];
	_ =	sdelay $0x3  }
0x37: {  	[smem:$0x3FBA] =	sst s10  }
0x38: {  	s10 =	sld [smem:$0x3FBB]  }
0x39: {  	_ = 	snop;
	(pc) =	sbr.ind lr, $3  }
0x3a: {  	_ = 	snop  }
0x3b: {  	_ = 	snop  }
0x3c: {  	p2 =	seq.s32 s10, $0x1;
	s10 =	sld [smem:$0x3FBA]  }
0x3d: {  	_ =	shalt  }
0x3e: {  	_ =	shalt  }
0x3f: {  	_ =	shalt  }
0x40: {  	_ =	shalt  }
0x41: {  	_ =	shalt  }
0x42: {  	_ =	shalt  }
0x43: {  	_ =	shalt  }
0x44: {  	_ =	shalt  }
0x45: {  	_ =	shalt  }
0x46: {  	_ =	shalt  }
0x47: {  	_ =	shalt  }
0x48: {  	_ =	shalt  }
0x49: {  	_ =	shalt  }
0x4a: {  	_ =	shalt  }
0x4b: {  	_ =	shalt  }
0x4c: {  	_ =	shalt  }
0x4d: {  	_ =	shalt  }
0x4e: {  	_ =	shalt  }
0x4f: {  	_ =	shalt  }
0x50: {  	_ =	shalt  }
0x51: {  	_ =	shalt  }
0x52: {  	_ =	shalt  }
0x53: {  	_ =	shalt  }
0x54: {  	_ =	shalt  }
0x55: {  	_ =	shalt  }
0x56: {  	_ =	shalt  }
0x57: {  	_ =	shalt  }
0x58: {  	_ =	shalt  }
0x59: {  	_ =	shalt  }
0x5a: {  	_ =	shalt  }
0x5b: {  	_ =	shalt  }
0x5c: {  	_ =	shalt  }
0x5d: {  	_ =	shalt  }
0x5e: {  	_ =	shalt  }
0x5f: {  	_ =	shalt  }
0x60: {  	_ =	shalt  }
0x61: {  	_ =	shalt  }
0x62: {  	_ =	shalt  }
0x63: {  	_ =	shalt  }
0x64: {  	_ =	shalt  }
0x65: {  	_ =	shalt  }
0x66: {  	_ =	shalt  }
0x67: {  	_ =	shalt  }
0x68: {  	_ =	shalt  }
0x69: {  	_ =	shalt  }
0x6a: {  	_ =	shalt  }
0x6b: {  	_ =	shalt  }
0x6c: {  	_ =	shalt  }
0x6d: {  	_ =	shalt  }
0x6e: {  	_ =	shalt  }
0x6f: {  	_ =	shalt  }
0x70: {  	_ =	shalt  }
0x71: {  	_ =	shalt  }
0x72: {  	_ =	shalt  }
0x73: {  	_ =	shalt  }
0x74: {  	_ =	shalt  }
0x75: {  	_ =	shalt  }
0x76: {  	_ =	shalt  }
0x77: {  	_ =	shalt  }
0x78: {  	_ =	shalt  }
0x79: {  	_ =	shalt  }
0x7a: {  	_ =	shalt  }
0x7b: {  	_ =	shalt  }
0x7c: {  	_ =	shalt  }
0x7d: {  	_ =	shalt  }
0x7e: {  	_ =	shalt  }
0x7f: {  	_ =	shalt  }
0x80: {  	_ =	shalt  }
0x81: {  	_ =	shalt  }
0x82: {  	_ =	shalt  }
0x83: {  	_ =	shalt  }
0x84: {  	_ =	shalt  }
0x85: {  	_ =	shalt  }
0x86: {  	_ =	shalt  }
0x87: {  	_ =	shalt  }
.Lfunc_end0:
.L_simem_size_0:
called_computation.1_lowered:
.L_overlay_start_0:
0x88: {  	s2 =	sld [smem:$0x3FD9]  }
0x89: {  	s3 =	sld [smem:$0x3FFE];
	_ =	sdelay $0x1  }
0x8a: {  	s1 =	srdreg.scid  }
0x8b: {  	s0 =	sand.u32 $0x1, s1  }
0x8c: {  	s17 =	sshll.u32 s0, $0xA;
	s2 =	sadd.s32 s3, s2  }
0x8d: {  	s2 =	sadd.s32 s2, s17  }
0x8e: {  	[smem:$0x3FC6] =	sst s2  }
0x8f: {  	_ = 	snop  }
0x90: {  	s2 =	sld [smem:$0x3FD0];
	(tm) =	ssettm $0x1  }
0x91: {  	s18 =	sld [smem:$0x3FFB];
	_ =	sdelay $0x3  }
0x92: {  	_ =	strace s18  }
0x93: {  	s3 =	sld [smem:$0x3FFC];
	_ =	sdelay $0x3  }
0x94: {  	_ =	strace s3  }
0x95: {  	s3 =	sld [smem:$0x3FFD];
	_ =	sdelay $0x3  }
0x96: {  	_ =	strace s3  }
0x97: {  	_ =	strace $0x8FFFFFFF  }
0x98: {  	s19 =	sld [smem:$0x3FDB];
	_ =	sdelay $0x1  }
0x99: {  	s4 =	simm.s32 $_scs_section_size  }
0x9a: {  	s5 =	simm.s32 $_size__tile_overlayer_lowered;
	s6 =	simm.s32 $_tile_overlayer_lowered  }
0x9b: {  	s22 =	simm.s32 $0x1BFF;
	s21 =	sshll.u32 s6, $0x1;
	s3 =	sadd.s32 s4, s19  }
0x9c: {  	s7 =	simm.s32 $0x0;
	s20 =	sshll.u32 s5, $0x1;
	s5 =	sadd.s32 s21, s3  }
0x9d: {  	[timem:s7], [sflag:s22] =	dma.local [hbm:s5], s20  }
0x9e: {  	_ =	swait.ge [sflag:s22], s20  }
0x9f: {  	s4 =	ssub.s32 $0x0, s20;
	[sflag:s22] =	ssyncset.done $0x0  }
0xa0: {  	[sflag:s22] =	ssyncadd.s32 s4;
	_ =	sdelay $0x1  }
0xa1: {  	s23 =	simm.s32 $0x1B8B  }
0xa2: {  	_ =	swait.ge [sflag:s23], $0x1  }
0xa3: {  	[sflag:s23] =	ssyncset.done $0x0  }
0xa4: {  	s25 =	simm.s32 $0x1B8E;
	s24 =	sld [smem:$0x3FFE];
	[sflag:s23] =	ssyncadd.s32 $0xFFFFFFFF  }
0xa5: {  	s26 =	simm.s32 $execute0_lowered;
	[smem:$0x3FD2] =	sst s25  }
0xa6: {  	s5 =	sshll.u32 s26, $0x1;
	_ =	strace $0x80000046;
	[dreg:$0x1] =	wrdreg $0xFFFFFFFF  }
0xa7: {  	s28 =	simm.s32 $_size_execute0_lowered;
	s3 =	sadd.s32 s3, s5;
	[dreg:$0x0] =	wrdreg $0x0  }
0xa8: {  	s5 =	sshll.u32 s28, $0x1;
	[dreg:$0x2] =	wrdreg s3  }
0xa9: {  	[dreg:$0x3] =	wrdreg s5  }
0xaa: {  	[dreg:$0x4] =	wrdreg $0xC0  }
0xab: {  	_ =	task [dreg:s7], $0x5FFFF  }
0xac: {  	[dreg:$0x1] =	wrdreg $0xFFFFFFFF  }
0xad: {  	[dreg:$0x0] =	wrdreg $0x60  }
0xae: {  	[dreg:$0x2] =	wrdreg s24  }
0xaf: {  	[dreg:$0x3] =	wrdreg s2  }
0xb0: {  	[dreg:$0x4] =	wrdreg $0x9  }
0xb1: {  	_ =	task.clear_ibuf [dreg:s7], $0x5FFFF;
	_ =	strace $0x90000046  }
0xb2: {  	s29 =	simm.s32 $0x9;
	_ =	strace $0x80000048  }
0xb3: {  	_ =	swait.ge [sflag:s29], $0x1  }
0xb4: {  	[sflag:s29] =	ssyncadd.s32 $0xFFFFFFFF  }
0xb5: {  	_ =	strace $0x90000048  }
0xb6: {  	_ =	sfence  }
0xb7: {  	s30 =	sld [smem:$0x0];
	_ =	sdelay $0x2  }
0xb8: {  	s31 =	sshll.u32 s1, $0xD;
	s1 =	sshrl.u32 s1, $0x2  }
0xb9: {  	s3 =	sand.u32 $0x4000, s31;
	s1 =	sadd.s32 s1, s30  }
0xba: {  	s0 =	sor.u32 s3, s0;
	s1 =	sshll.u32 s1, $0x11  }
0xbb: {  	s0 =	sor.u32 s1, s0  }
0xbc: {  	s0 =	sadd.s32 $0x8F2B, s0  }
0xbd: {  	[sflag:s0] =	ssyncadd.remote.s32 $0x1  }
0xbe: {  	_ =	sfence.sel $0xFFFF  }
0xbf: {  	[dreg:$0x0] =	wrdreg $0xFFFFFFFF;
	(pc) =	sbr.abs _section_cstart, $3  }
0xc0: {  	[dreg:$0x1] =	wrdreg $0xFFFFFFFF  }
0xc1: {  	_ =	task.clear_ibuf [dreg:s7], $0x2FFFF;
	_ =	strace $0x9FFFFFFF  }
0xc2: {  	(tm) =	ssettm $0x7FFFFFFF  }
0xc3: {  	_ =	shalt  }
tec
execute0_lowered:
.L_overlay_start_1:
0x0: {  	(tag) =	ssettag $0x1  }
0x1: {  	s1 =	srdreg.scid;
	s4 =	rddreg [dreg:$0x0]  }
0x2: {  	s0 =	stileid.u32;
	s5 =	rddreg [dreg:$0x1];
	s2 =	simm.s32 $0x0  }
0x3: {  	s12 =	simm.s32 $0x80;
	s13 =	simm.s32 $0x6400;
	s14 =	simm.s32 $0x48  }
0x4: {  	s15 =	simm.s32 $0xA400;
	s16 =	simm.s32 $0xC8;
	s17 =	simm.s32 $0xC800  }
0x5: {  	s18 =	simm.s32 $0x148;
	s19 =	simm.s32 $0x10800;
	s20 =	simm.s32 $0x1  }
0x6: {  	s21 =	simm.s32 $0x3;
	s22 =	simm.s32 $0x190;
	s23 =	simm.s32 $0x210  }
0x7: {  	s24 =	simm.s32 $0x2;
	s25 =	simm.s32 $0x4;
	s26 =	simm.s32 $0x6338  }
0x8: {  	s28 =	simm.s32 $0x63B8;
	s29 =	simm.s32 $0x0;
	s1 =	sand.u32 $0x1, s1  }
0x9: {  	s3 =	sshll.u32 s0, $0x8;
	[smem:$0x7FF] =	sst s2;
	s10 =	smul.u32 $0xC8000, s0  }
0xa: {  	s11 =	sadd.s32 $0xF42C00, s4;
	s6 =	sshll.u32 s1, $0x7;
	_ =	strace $0x80000047  }
0xb: {  	s7 =	ssub.s32 $0x2, s1;
	s1 =	smul.u32 $0x64000, s1;
	s3 =	sor.u32 s6, s3  }
0xc: {  	s9 =	sshrl.u32 s7, $0x1;
	s31 =	sadd.s32 s10, s11;
	s6 =	smul.u32 $0x19, s3  }
0xd: {  	s8 =	smul.u32 $0xC80, s3;
	s3 =	sadd.s32 $0x800, s4;
	s1 =	sadd.s32 s1, s31  }
0xe: {  	s7 =	ssub.s32 s7, s9;
	s10 =	sadd.s32 $0x1900, s1;
	s4 =	sadd.s32 s5, s6  }
0xf: {  	s5 =	sadd.s32 s11, s8;
	s6 =	smax.u32 s7, $0x1;
	s11 =	simm.s32 $0x5  }
0x10: {  	s7 =	sadd.s32 $0xC80, s5;
	s8 =	sadd.s32 $0x62700, s5;
	s9 =	sadd.s32 $0x63380, s5  }
.LBB2_1:
0x11: {  	[tilespmem:s2], [sflag:$0x5] =	stream.linear.gather [hbm4b:s4+s2], $0x6400, $0x38;
	[tilespmem:$0x12C00] =	vst v63  }
0x12: {  	_ =	swait.ge [sflag:s11], $0x6400  }
0x13: {  	[sflag:s11] =	ssyncset.done $0x0  }
0x14: {  	[sflag:s11] =	ssyncadd.s32 $0xFFFF9C00  }
0x15: {  	[tilespmem:s13], [sflag:$0x1] =	stream.indirect.gather [hbm4b:s3+s12], $0x80, s2, s12, $0xb8;
	[tilespmem:$0x12C00] =	vst v63  }
0x16: {  	_ = 	snop  }
0x17: {  	[tilespmem:s15], [sflag:$0x1] =	stream.indirect.gather [hbm4b:s3+s14], $0x80, s12, s14, $0xb8;
	[tilespmem:$0x12C00] =	vst v63  }
0x18: {  	_ = 	snop  }
0x19: {  	[tilespmem:s17], [sflag:$0x2] =	stream.indirect.gather [hbm4b:s3+s12], $0x80, s16, s12, $0xb8;
	[tilespmem:$0x12C00] =	vst v63  }
0x1a: {  	_ = 	snop  }
0x1b: {  	[tilespmem:s19], [sflag:$0x2] =	stream.indirect.gather [hbm4b:s3+s14], $0x80, s18, s14, $0xb8;
	[tilespmem:$0x12C00] =	vst v63  }
0x1c: {  	_ =	swait.ge [sflag:s20], $0x6400  }
0x1d: {  	[sflag:s20] =	ssyncset.done $0x0  }
0x1e: {  	[sflag:s20] =	ssyncadd.s32 $0xFFFF9C00  }
0x1f: {  	[hbm4b:s5+s2] =	stream.linear.scatter [tilespmem:s13], [sflag:$0x3], $0x6400, $0x38;
	[tilespmem:$0x12C00] =	vst v63  }
0x20: {  	_ =	swait.ge [sflag:s21], $0x6400  }
0x21: {  	[sflag:s21] =	ssyncset.done $0x0  }
0x22: {  	[sflag:s21] =	ssyncadd.s32 $0xFFFF9C00  }
0x23: {  	[tilespmem:s13], [sflag:$0x1] =	stream.indirect.gather [hbm4b:s3+s12], $0x80, s22, s12, $0xb8;
	[tilespmem:$0x12C00] =	vst v63  }
0x24: {  	_ = 	snop  }
0x25: {  	[tilespmem:s15], [sflag:$0x1] =	stream.indirect.gather [hbm4b:s3+s14], $0x80, s23, s14, $0xb8;
	[tilespmem:$0x12C00] =	vst v63  }
0x26: {  	_ =	swait.ge [sflag:s24], $0x6400  }
0x27: {  	[sflag:s24] =	ssyncset.done $0x0  }
0x28: {  	[sflag:s24] =	ssyncadd.s32 $0xFFFF9C00  }
0x29: {  	[hbm4b:s7+s2] =	stream.linear.scatter [tilespmem:s17], [sflag:$0x4], $0x6400, $0x38;
	[tilespmem:$0x12C00] =	vst v63  }
0x2a: {  	_ =	swait.ge [sflag:s25], $0x6400  }
0x2b: {  	[sflag:s25] =	ssyncset.done $0x0  }
0x2c: {  	s1 =	simm.s32 $0x258;
	[sflag:s25] =	ssyncadd.s32 $0xFFFF9C00  }
0x2d: {  	[tilespmem:s17], [sflag:$0x2] =	stream.indirect.gather [hbm4b:s3+s12], $0x80, s1, s12, $0xb8;
	[tilespmem:$0x12C00] =	vst v63  }
0x2e: {  	s0 =	simm.s32 $0x2D8  }
0x2f: {  	[tilespmem:s19], [sflag:$0x2] =	stream.indirect.gather [hbm4b:s3+s14], $0x80, s0, s14, $0xb8;
	[tilespmem:$0x12C00] =	vst v63  }
0x30: {  	_ =	swait.ge [sflag:s20], $0x6400  }
0x31: {  	[sflag:s20] =	ssyncset.done $0x0  }
0x32: {  	[sflag:s20] =	ssyncadd.s32 $0xFFFF9C00  }
0x33: {  	[hbm4b:s10+s2] =	stream.linear.scatter [tilespmem:s13], [sflag:$0x3], $0x6400, $0x38;
	[tilespmem:$0x12C00] =	vst v63  }
0x34: {  	_ =	swait.ge [sflag:s21], $0x6400  }
0x35: {  	[sflag:s21] =	ssyncset.done $0x0  }
0x36: {  	s0 =	simm.s32 $0x320;
	[sflag:s21] =	ssyncadd.s32 $0xFFFF9C00  }
0x37: {  	[tilespmem:s13], [sflag:$0x1] =	stream.indirect.gather [hbm4b:s3+s12], $0x80, s0, s12, $0xb8;
	[tilespmem:$0x12C00] =	vst v63  }
0x38: {  	s0 =	simm.s32 $0x3A0  }
0x39: {  	[tilespmem:s15], [sflag:$0x1] =	stream.indirect.gather [hbm4b:s3+s14], $0x80, s0, s14, $0xb8;
	[tilespmem:$0x12C00] =	vst v63  }
0x3a: {  	_ =	swait.ge [sflag:s24], $0x6400  }
0x3b: {  	s30 =	simm.s32 $0x640;
	[sflag:s24] =	ssyncset.done $0x0  }
0x3c: {  	s31 =	sadd.s32 $0x1900, s10;
	s1 =	sadd.s32 $0xC80, s10;
	[sflag:s24] =	ssyncadd.s32 $0xFFFF9C00  }
.LBB2_2:
0x3d: {  	[hbm4b:s1+s2] =	stream.linear.scatter [tilespmem:s17], [sflag:$0x4], $0x6400, $0x38;
	[tilespmem:$0x12C00] =	vst v63  }
0x3e: {  	s1 =	smov.u32 s30  }
0x3f: {  	p0 =	sne.s32 s30, $0x17D40;
	s30 =	sadd.s32 $0x640, s30;
	_ =	swait.ge [sflag:s25], $0x6400  }
0x40: {  	s1 =	sshra.s32 s1, $0x2;
	[sflag:s25] =	ssyncset.done $0x0  }
0x41: {  	s0 =	sadd.s32 $0x258, s1;
	[sflag:s25] =	ssyncadd.s32 $0xFFFF9C00  }
0x42: {  	[tilespmem:s17], [sflag:$0x2] =	stream.indirect.gather [hbm4b:s3+s12], $0x80, s0, s12, $0xb8;
	[tilespmem:$0x12C00] =	vst v63  }
0x43: {  	s0 =	sadd.s32 $0x2D8, s1  }
0x44: {  	[tilespmem:s19], [sflag:$0x2] =	stream.indirect.gather [hbm4b:s3+s14], $0x80, s0, s14, $0xb8;
	[tilespmem:$0x12C00] =	vst v63  }
0x45: {  	_ =	swait.ge [sflag:s20], $0x6400  }
0x46: {  	[sflag:s20] =	ssyncset.done $0x0  }
0x47: {  	[sflag:s20] =	ssyncadd.s32 $0xFFFF9C00  }
0x48: {  	[hbm4b:s31+s2] =	stream.linear.scatter [tilespmem:s13], [sflag:$0x3], $0x6400, $0x38;
	[tilespmem:$0x12C00] =	vst v63  }
0x49: {  	_ =	swait.ge [sflag:s21], $0x6400  }
0x4a: {  	[sflag:s21] =	ssyncset.done $0x0  }
0x4b: {  	s0 =	sadd.s32 $0x320, s1;
	[sflag:s21] =	ssyncadd.s32 $0xFFFF9C00  }
0x4c: {  	[tilespmem:s13], [sflag:$0x1] =	stream.indirect.gather [hbm4b:s3+s12], $0x80, s0, s12, $0xb8;
	[tilespmem:$0x12C00] =	vst v63  }
.Ltmp0:
0x4d: {  	s0 =	sadd.s32 $0x3A0, s1;
	(pc) =	sbr.rel @p0 .LBB2_2-.Ltmp0, $4  }
0x4e: {  	[tilespmem:s15], [sflag:$0x1] =	stream.indirect.gather [hbm4b:s3+s14], $0x80, s0, s14, $0xb8;
	[tilespmem:$0x12C00] =	vst v63  }
0x4f: {  	_ =	swait.ge [sflag:s24], $0x6400  }
0x50: {  	[sflag:s24] =	ssyncset.done $0x0  }
0x51: {  	s1 =	sadd.s32 $0xC80, s31;
	s31 =	sadd.s32 $0x1900, s31;
	[sflag:s24] =	ssyncadd.s32 $0xFFFF9C00  }
0x52: {  	[hbm4b:s1+s2] =	stream.linear.scatter [tilespmem:s17], [sflag:$0x4], $0x6400, $0x38;
	[tilespmem:$0x12C00] =	vst v63  }
0x53: {  	_ =	swait.ge [sflag:s25], $0x6400  }
0x54: {  	[sflag:s25] =	ssyncset.done $0x0  }
0x55: {  	[sflag:s25] =	ssyncadd.s32 $0xFFFF9C00  }
0x56: {  	[tilespmem:s17], [sflag:$0x2] =	stream.indirect.gather [hbm4b:s3+s12], $0x80, s26, s12, $0xb8;
	[tilespmem:$0x12C00] =	vst v63  }
0x57: {  	_ = 	snop  }
0x58: {  	[tilespmem:s19], [sflag:$0x2] =	stream.indirect.gather [hbm4b:s3+s14], $0x80, s28, s14, $0xb8;
	[tilespmem:$0x12C00] =	vst v63  }
0x59: {  	_ =	swait.ge [sflag:s20], $0x6400  }
0x5a: {  	[sflag:s20] =	ssyncset.done $0x0  }
0x5b: {  	[sflag:s20] =	ssyncadd.s32 $0xFFFF9C00  }
0x5c: {  	[hbm4b:s8+s2] =	stream.linear.scatter [tilespmem:s13], [sflag:$0x3], $0x6400, $0x38;
	[tilespmem:$0x12C00] =	vst v63  }
0x5d: {  	_ =	swait.ge [sflag:s24], $0x6400  }
0x5e: {  	[sflag:s24] =	ssyncset.done $0x0  }
0x5f: {  	s29 =	sadd.s32 $0x1, s29;
	[sflag:s24] =	ssyncadd.s32 $0xFFFF9C00  }
0x60: {  	[hbm4b:s9+s2] =	stream.linear.scatter [tilespmem:s17], [sflag:$0x4], $0x6400, $0x38;
	[tilespmem:$0x12C00] =	vst v63  }
0x61: {  	p0 =	sne.s32 s29, s6;
	_ =	swait.ge [sflag:s21], $0x6400  }
.Ltmp1:
0x62: {  	[sflag:s21] =	ssyncset.done $0x0;
	(pc) =	sbr.rel @p0 .LBB2_1-.Ltmp1, $4  }
0x63: {  	[sflag:s21] =	ssyncadd.s32 $0xFFFF9C00  }
0x64: {  	_ =	swait.ge [sflag:s25], $0x6400  }
0x65: {  	[sflag:s25] =	ssyncset.done $0x0  }
0x66: {  	[sflag:s25] =	ssyncadd.s32 $0xFFFF9C00  }
0x67: {  	_ =	sfence.sel $0x180000  }
0x68: {  	[bflag:$0x0] =	sbarrier.arrive $0xFFFF  }
0x69: {  	_ =	strace $0x90000047  }
0x6a: {  	s0 =	stileid.u32;
	[bflag:$0x2] =	sbarrier.arrive $0xFFFF  }
0x6b: {  	p0 =	sne.s32 s0, $0x0;
	s0 =	rddreg [dreg:$0x2]  }
0x6c: {  	s0 =	sadd.s32 @!p0 $0x100000, s0  }
0x6d: {  	[sflag:s0] =	ssyncadd.tile.s32 @!p0 $0x1;
	_ =	shalt  }
.Lfunc_end2:
_tile_overlayer_lowered:
.L_overlay_start_2:
0x6e: {  	(tag) =	ssettag $0x2  }
0x6f: {  	s0 =	rddreg [dreg:$0x0];
	s2 =	stileid.u32  }
0x70: {  	s1 =	rddreg [dreg:$0x1];
	p0 =	sne.s32 s2, $0x0  }
0x71: {  	s3 =	rddreg [dreg:$0x2];
	[bflag:$0x3] =	sbarrier.arrive $0xFFFF;
	s2 =	simm.s32 @!p0 $0x1C05  }
0x72: {  	[timem:s3], [sflag:s2] =	dma.local @!p0 [hbm:s0], s1  }
0x73: {  	s0 =	simm.s32 @!p0 $0x5  }
0x74: {  	_ =	swait.ge @!p0 [sflag:s0], s1  }
0x75: {  	s1 =	ssub.s32 @!p0 $0x0, s1;
	[sflag:s0] =	ssyncset.done @!p0 $0x0  }
0x76: {  	[sflag:s0] =	ssyncadd.s32 @!p0 s1  }
0x77: {  	[bflag:$0x3] =	sbarrier.arrive $0xFFFF  }
0x78: {  	_ =	shalt  }

// kernel: sparse-core-data-format-call.cloned.1.call-start
scs
called_computation_lowered:
.L_overlay_start_0:
0x0: {  	s2 =	sld [smem:$0x3FD9]  }
0x1: {  	s3 =	sld [smem:$0x3FFE];
	_ =	sdelay $0x1  }
0x2: {  	s1 =	srdreg.scid  }
0x3: {  	s0 =	sand.u32 $0x1, s1  }
0x4: {  	s18 =	sshll.u32 s0, $0xA;
	s2 =	sadd.s32 s3, s2  }
0x5: {  	s2 =	sadd.s32 s2, s18  }
0x6: {  	[smem:$0x3FC6] =	sst s2  }
0x7: {  	_ = 	snop  }
0x8: {  	s2 =	sld [smem:$0x3FD0];
	(tm) =	ssettm $0x1  }
0x9: {  	s19 =	sld [smem:$0x3FFB];
	_ =	sdelay $0x3  }
0xa: {  	_ =	strace s19  }
0xb: {  	s3 =	sld [smem:$0x3FFC];
	_ =	sdelay $0x3  }
0xc: {  	_ =	strace s3  }
0xd: {  	s3 =	sld [smem:$0x3FFD];
	_ =	sdelay $0x3  }
0xe: {  	_ =	strace s3  }
0xf: {  	_ =	strace $0x8FFFFFFF  }
0x10: {  	s20 =	sld [smem:$0x3FDB];
	_ =	sdelay $0x1  }
0x11: {  	s4 =	simm.s32 $_scs_section_size  }
0x12: {  	s5 =	simm.s32 $_size__tile_overlayer_lowered;
	s6 =	simm.s32 $_tile_overlayer_lowered  }
0x13: {  	s23 =	simm.s32 $0x1BFF;
	s22 =	sshll.u32 s6, $0x1;
	s3 =	sadd.s32 s4, s20  }
0x14: {  	s7 =	simm.s32 $0x0;
	s21 =	sshll.u32 s5, $0x1;
	s5 =	sadd.s32 s22, s3  }
0x15: {  	[timem:s7], [sflag:s23] =	dma.local [hbm:s5], s21  }
0x16: {  	_ =	swait.ge [sflag:s23], s21  }
0x17: {  	s4 =	ssub.s32 $0x0, s21;
	[sflag:s23] =	ssyncset.done $0x0  }
0x18: {  	[sflag:s23] =	ssyncadd.s32 s4;
	_ =	sdelay $0x1  }
0x19: {  	s24 =	simm.s32 $0x1B8B  }
0x1a: {  	_ =	swait.ge [sflag:s24], $0x1  }
0x1b: {  	[sflag:s24] =	ssyncset.done $0x0  }
0x1c: {  	s26 =	simm.s32 $0x1B8E;
	s25 =	sld [smem:$0x3FFE];
	[sflag:s24] =	ssyncadd.s32 $0xFFFFFFFF  }
0x1d: {  	s27 =	simm.s32 $execute0_lowered;
	[smem:$0x3FD2] =	sst s26  }
0x1e: {  	s5 =	sshll.u32 s27, $0x1;
	_ =	strace $0x80000049;
	[dreg:$0x1] =	wrdreg $0xFFFFFFFF  }
0x1f: {  	s28 =	simm.s32 $_size_execute0_lowered;
	s3 =	sadd.s32 s3, s5;
	[dreg:$0x0] =	wrdreg $0x0  }
0x20: {  	s5 =	sshll.u32 s28, $0x1;
	[dreg:$0x2] =	wrdreg s3  }
0x21: {  	[dreg:$0x3] =	wrdreg s5  }
0x22: {  	[dreg:$0x4] =	wrdreg $0xC0  }
0x23: {  	_ =	task [dreg:s7], $0x5FFFF  }
0x24: {  	[dreg:$0x1] =	wrdreg $0xFFFFFFFF  }
0x25: {  	[dreg:$0x0] =	wrdreg $0x60  }
0x26: {  	[dreg:$0x2] =	wrdreg s25  }
0x27: {  	[dreg:$0x3] =	wrdreg s2  }
0x28: {  	[dreg:$0x4] =	wrdreg $0x9  }
0x29: {  	_ =	task.clear_ibuf [dreg:s7], $0x5FFFF;
	_ =	strace $0x90000049  }
0x2a: {  	s29 =	simm.s32 $0x9;
	_ =	strace $0x8000004B  }
0x2b: {  	_ =	swait.ge [sflag:s29], $0x1  }
0x2c: {  	[sflag:s29] =	ssyncadd.s32 $0xFFFFFFFF  }
0x2d: {  	_ =	strace $0x9000004B  }
0x2e: {  	_ =	sfence  }
0x2f: {  	s30 =	sld [smem:$0x0];
	_ =	sdelay $0x2  }
0x30: {  	s31 =	sshll.u32 s1, $0xD;
	s1 =	sshrl.u32 s1, $0x2  }
0x31: {  	s3 =	sand.u32 $0x4000, s31;
	s1 =	sadd.s32 s1, s30  }
0x32: {  	s0 =	sor.u32 s3, s0;
	s1 =	sshll.u32 s1, $0x11  }
0x33: {  	s0 =	sor.u32 s1, s0  }
0x34: {  	s0 =	sadd.s32 $0x8F2B, s0  }
0x35: {  	[sflag:s0] =	ssyncadd.remote.s32 $0x1  }
0x36: {  	_ =	sfence.sel $0xFFFF  }
0x37: {  	[dreg:$0x0] =	wrdreg $0xFFFFFFFF;
	(pc) =	sbr.abs _section_cstart, $3  }
0x38: {  	[dreg:$0x1] =	wrdreg $0xFFFFFFFF  }
0x39: {  	_ =	task.clear_ibuf [dreg:s7], $0x2FFFF;
	_ =	strace $0x9FFFFFFF  }
0x3a: {  	(tm) =	ssettm $0x7FFFFFFF  }
0x3b: {  	_ =	shalt  }
tec
execute0_lowered:
.L_overlay_start_1:
0x0: {  	(tag) =	ssettag $0x1  }
0x1: {  	s0 =	srdreg.scid  }
0x2: {  	s1 =	sshll.u32 s0, $0x4  }
0x3: {  	s0 =	stileid.u32;
	s1 =	sand.u32 $0x10, s1  }
0x4: {  	s1 =	sor.u32 s0, s1  }
0x5: {  	s6 =	rddreg [dreg:$0x0];
	s4 =	simm.s32 $0x1;
	s2 =	sshll.u32 s1, $0x7  }
0x6: {  	s7 =	simm.s32 $0x2;
	s12 =	simm.s32 $0x0;
	s1 =	ssub.s32 $0x1000, s2  }
0x7: {  	s8 =	simm.s32 $0x8000;
	s13 =	simm.s32 $0x0;
	s3 =	sand.u32 $0xF80, s1  }
0x8: {  	s9 =	simm.s32 $0x0;
	s5 =	sshrl.u32 s1, $0xC;
	p0 =	sne.s32 s3, $0x0  }
.Ltmp0:
0x9: {  	s1 =	rddreg [dreg:$0x2];
	s4 =	simm.s32 @!p0 $0x0;
	(pc) =	sbr.rel .LBB1_1-.Ltmp0, $4  }
0xa: {  	s11 =	simm.s32 $0x0;
	s3 =	rddreg [dreg:$0x1];
	s5 =	sadd.s32 s4, s5  }
0xb: {  	_ =	strace $0x8000004A;
	s4 =	simm.s32 $0x1;
	s5 =	smul.u32 $0xC8, s5  }
0xc: {  	s6 =	sadd.s32 $0xF42C00, s6;
	s10 =	smov.u32 s2;
	[sflag:s4] =	ssyncpa.u1 $0x0  }
0xd: {  	p0 =	por $0x0, $0x0;
	[sflag:s7] =	ssyncpa.u1 $0x0;
	s7 =	sor.u32 $0x1, s5  }
.LBB1_4:
0xe: {  	s16 =	sshll.u32 s13, $0x3;
	s17 =	sand.u32 $0x78, s13  }
0xf: {  	s30 =	sand.u32 $0x7E00, s13;
	s12 =	sshll.u32 s12, $0xF;
	s16 =	sand.u32 $0xC00, s16  }
0x10: {  	[tilespmem:s15+$0x810 ss:$0x81] =	vst.msk $0xffff, v2;
	s31 =	sand.u32 $0x7, s13;
	s16 =	sor.u32 s17, s16;
	s17 =	sadd.s32 s3, s30  }
0x11: {  	[tilespmem:s15+$0x1020 ss:$0x81] =	vst.msk $0xffff, v0;
	s13 =	sshll.u32 s31, $0x12;
	s12 =	sadd.s32 s12, s17;
	s16 =	sshrl.u32 s16, $0x3  }
0x12: {  	[tilespmem:s15+$0x0 ss:$0x81] =	vst.msk $0xffff, v1;
	s13 =	sor.u32 $0x400, s13;
	s12 =	sadd.s32 s16, s12  }
0x13: {  	[hbm4b:s12+s13] =	stream.strided.scatter [tilespmem:s14], [sflag:$0x2], $0x2000, s8, s13, $0x20;
	[tilespmem:$0x8080] =	vst v63  }
.LBB1_5:
0x14: {  	s14 =	sadd.s32 $0x1, s9  }
0x15: {  	s12 =	sadd.s32 $0x1000, s10;
	s16 =	smov.u32 s10;
	p2 =	sgt.s32 s14, $0xC7  }
0x16: {  	s16 =	smov.u32 @p2 s12  }
0x17: {  	s14 =	simm.s32 @p2 $0x0;
	p2 =	sgt.s32 s16, $0xFFF  }
0x18: {  	s16 =	smov.u32 @p2 s2;
	p2 =	sne.s32 s11, s7  }
.Ltmp1:
0x19: {  	p1 =	slt.u32 s11, $0x2;
	(pc) =	sbr.rel @!p2 .LBB1_6-.Ltmp1, $4  }
0x1a: {  	s15 =	simm.s32 @!p1 $0x2  }
0x1b: {  	s13 =	smov.u32 s10;
	p0 =	por !p0, !p0;
	_ =	swait.ge @!p1 [sflag:s15], $0x2000  }
0x1c: {  	s12 =	smov.u32 s9;
	[sflag:s15] =	ssyncset.done @!p1 $0x0;
	s9 =	smov.u32 s14  }
0x1d: {  	s11 =	sadd.s32 $0x1, s11;
	[sflag:s15] =	ssyncadd.s32 @!p1 $0xFFFFE000;
	s10 =	smov.u32 s16  }
.LBB1_1:
0x1e: {  	p1 =	sge.u32 s11, s5  }
0x1f: {  	s14 =	sand.u32 @!p1 $0x1FFFFFF, s9  }
0x20: {  	s15 =	smulhi.u32 @!p1 $0x147AE15, s14;
	_ =	sdelay $0x1  }
0x21: {  	s15 =	smul.u32 @!p1 $0xC8, s15  }
0x22: {  	s16 =	sxor.u32 @!p1 $0xFFFFFFFF, s11;
	s17 =	smul.u32 @!p1 $0xC80, s10  }
0x23: {  	s31 =	sadd.s32 $0xFFFFFFFF, s11;
	s16 =	sshll.u32 @!p1 s16, $0xD;
	s14 =	ssub.s32 @!p1 s14, s15  }
0x24: {  	s15 =	sand.u32 @!p1 $0x2000, s16;
	s16 =	sadd.s32 @!p1 s6, s17;
	s14 =	sshll.u32 @!p1 s14, $0x4  }
0x25: {  	s17 =	simm.s32 @!p1 $0x6400;
	s14 =	sadd.s32 @!p1 s14, s16;
	s16 =	simm.s32 @!p1 $0x40  }
0x26: {  	[tilespmem:s15], [sflag:$0x1] =	stream.strided.gather @!p1 [hbm4b:s14+s16], $0x2000, s17, s16, $0x38;
	[tilespmem:$0x8080] =	vst v63  }
0x27: {  	p1 =	sge.u32 s31, s5  }
.Ltmp2:
0x28: {  	_ = 	snop;
	(pc) =	sbr.rel @p1 .LBB1_5-.Ltmp2, $1  }
0x29: {  	_ =	sdelay $0x3  }
0x2a: {  	s14 =	simm.s32 $0x1  }
0x2b: {  	_ =	swait.ge [sflag:s4], $0x2000;
	s14 =	simm.s32 @!p0 $0x0  }
0x2c: {  	[sflag:s4] =	ssyncset.done $0x0;
	s15 =	sshll.u32 s14, $0xD  }
0x2d: {  	[sflag:s4] =	ssyncadd.s32 $0xFFFFE000;
	s18 =	sor.u32 $0x20, s15  }
0x2e: {  	s14 =	smul.u32 $0x8100, s14;
	v3 =	vld [tilespmem:s18+$0x10]  }
0x2f: {  	s30 =	sand.u32 $0x1, s11;
	v2 =	vld [tilespmem:s18+$0xFFFFFFF0]  }
0x30: {  	s15 =	smul.u32 $0x8100, s30;
	s14 =	sshrl.u32 s14, $0x2;
	v0 =	vld [tilespmem:s18+$0x0]  }
0x31: {  	v1 =	vld [tilespmem:s18+$0xFFFFFFE0];
	s16 =	sor.u32 $0x4000, s14  }
0x32: {  	s31 =	sshrl.u32 s15, $0x2;
	s15 =	sadd.s32 $0x0, s16  }
0x33: {  	s17 =	simm.s32 $0x4;
	s18 =	sadd.s32 $0x40, s18;
	s14 =	sor.u32 $0x4000, s31;
	[tilespmem:s15+$0x1830 ss:$0x81] =	vst.msk $0xffff, v3  }
.LBB1_3:
0x34: {  	v3 =	vld [tilespmem:s18+$0x10];
	p1 =	sne.s32 s17, $0x1FC;
	[tilespmem:s15+$0x810 ss:$0x81] =	vst.msk $0xffff, v2;
	s19 =	smov.u32 s17;
	s17 =	sadd.s32 $0x4, s17  }
.Ltmp3:
0x35: {  	v2 =	vld [tilespmem:s18+$0xFFFFFFF0];
	[tilespmem:s15+$0x1020 ss:$0x81] =	vst.msk $0xffff, v0;
	(pc) =	sbr.rel @p1 .LBB1_3-.Ltmp3, $4  }
0x36: {  	v0 =	vld [tilespmem:s18+$0x0];
	[tilespmem:s15+$0x0 ss:$0x81] =	vst.msk $0xffff, v1  }
0x37: {  	s15 =	sshra.s32 s19, $0x2;
	v1 =	vld [tilespmem:s18+$0xFFFFFFE0]  }
0x38: {  	s15 =	sadd.s32 s15, s16  }
0x39: {  	s18 =	sadd.s32 $0x40, s18;
	[tilespmem:s15+$0x1830 ss:$0x81] =	vst.msk $0xffff, v3  }
.Ltmp4:
0x3a: {  	_ = 	snop;
	(pc) =	sbr.rel .LBB1_4-.Ltmp4, $1  }
0x3b: {  	_ =	sdelay $0x3  }
.LBB1_6:
0x3c: {  	_ =	sfence.sel $0x180000  }
0x3d: {  	s2 =	simm.s32 $0x1;
	[bflag:$0x0] =	sbarrier.arrive $0xFFFF  }
0x3e: {  	s31 =	simm.s32 $0x2;
	[sflag:s2] =	ssyncpa.u1 $0x1  }
0x3f: {  	[sflag:s31] =	ssyncpa.u1 $0x1  }
0x40: {  	p0 =	sne.s32 s0, $0x0;
	_ =	strace $0x9000004A  }
0x41: {  	s0 =	sadd.s32 @!p0 $0x100000, s1;
	[bflag:$0x2] =	sbarrier.arrive $0xFFFF  }
0x42: {  	[sflag:s0] =	ssyncadd.tile.s32 @!p0 $0x1;
	_ =	shalt  }
.Lfunc_end1:
_tile_overlayer_lowered:
.L_overlay_start_2:
0x43: {  	(tag) =	ssettag $0x2  }
0x44: {  	s0 =	rddreg [dreg:$0x0];
	s2 =	stileid.u32  }
0x45: {  	s1 =	rddreg [dreg:$0x1];
	p0 =	sne.s32 s2, $0x0  }
0x46: {  	s3 =	rddreg [dreg:$0x2];
	[bflag:$0x3] =	sbarrier.arrive $0xFFFF;
	s2 =	simm.s32 @!p0 $0x1C01  }
0x47: {  	[timem:s3], [sflag:s2] =	dma.local @!p0 [hbm:s0], s1  }
0x48: {  	s0 =	simm.s32 @!p0 $0x1  }
0x49: {  	_ =	swait.ge @!p0 [sflag:s0], s1  }
0x4a: {  	s1 =	ssub.s32 @!p0 $0x0, s1;
	[sflag:s0] =	ssyncset.done @!p0 $0x0  }
0x4b: {  	[sflag:s0] =	ssyncadd.s32 @!p0 s1  }
0x4c: {  	[bflag:$0x3] =	sbarrier.arrive $0xFFFF  }
0x4d: {  	_ =	shalt  }

</sc_bundles>
